<compile_context>
chip_gen: v7x
topology: tpu7x:2x2x1
jax: 0.10.2.dev20260603
libtpu: 0.0.44.dev20260713+nightly
codegen_flags: <defaults>
</compile_context>

<pallas_src>
import functools

import jax
import jax.numpy as jnp
from jax import lax
from jax.experimental import pallas as pl
from jax.experimental.pallas import tpu as pltpu
from jax.experimental.pallas import tpu_sc as plsc

N_NODES = 10000
N_EDGES = 320000
D_IN = 128
D_HID = 128
N_CLS = 40
N_CLS_PAD = 128

NUM_CORES = 2
NUM_SUBCORES = 16
NUM_TILES = NUM_CORES * NUM_SUBCORES
EDGES_PER_TILE = N_EDGES // NUM_TILES
CHUNK = 80
NCHUNK = EDGES_PER_TILE // CHUNK
ROWS_PER_SUBCORE = 624
ROWS_TAIL = N_NODES - NUM_SUBCORES * ROWS_PER_SUBCORE


def _make_edge_agg(d: int):
  mesh = plsc.VectorSubcoreMesh(core_axis_name="c", subcore_axis_name="s")

  @functools.partial(
      pl.kernel,
      mesh=mesh,
      out_type=jax.ShapeDtypeStruct((NUM_CORES, N_NODES, d), jnp.float32),
      scratch_types=[
          pltpu.VMEM((NCHUNK, CHUNK), jnp.int32),
          pltpu.VMEM((NCHUNK, CHUNK), jnp.int32),
          pltpu.VMEM((CHUNK, d), jnp.float32),
          pltpu.VMEM_SHARED((N_NODES, d), jnp.float32),
          pltpu.SemaphoreType.DMA,
      ],
  )
  def agg(rows_hbm, src_hbm, dst_hbm, out_hbm, src_v, dst_v, rows_v, acc, sem):
    cid = lax.axis_index("c")
    sid = lax.axis_index("s")
    tid = cid * NUM_SUBCORES + sid

    pltpu.sync_copy(src_hbm.at[tid], src_v)
    pltpu.sync_copy(dst_hbm.at[tid], dst_v)

    def zero_body(i, _):
      r = i // (d // 16)
      c = i % (d // 16)
      rows_v[r, pl.ds(c * 16, 16)] = jnp.zeros((16,), jnp.float32)
      return 0
    lax.fori_loop(0, CHUNK * (d // 16), zero_body, 0)
    base = sid * ROWS_PER_SUBCORE
    for i in range(ROWS_PER_SUBCORE // CHUNK):
      pltpu.sync_copy(rows_v, acc.at[pl.ds(base + i * CHUNK, CHUNK)])
    rem = ROWS_PER_SUBCORE % CHUNK
    if rem:
      pltpu.sync_copy(
          rows_v.at[pl.ds(0, rem)],
          acc.at[pl.ds(base + ROWS_PER_SUBCORE - rem, rem)])

    @pl.when(sid == NUM_SUBCORES - 1)
    def _zero_tail():
      pltpu.sync_copy(
          rows_v.at[pl.ds(0, ROWS_TAIL)],
          acc.at[pl.ds(NUM_SUBCORES * ROWS_PER_SUBCORE, ROWS_TAIL)])
    plsc.subcore_barrier()

    def body(j, _):
      pltpu.async_copy(rows_hbm.at[src_v.at[j]], rows_v, sem).wait()
      pltpu.sync_copy(rows_v, acc.at[dst_v.at[j]], add=True)
      return 0
    lax.fori_loop(0, NCHUNK, body, 0)
    plsc.subcore_barrier()

    pltpu.sync_copy(acc.at[pl.ds(base, ROWS_PER_SUBCORE)],
                    out_hbm.at[cid, pl.ds(base, ROWS_PER_SUBCORE)])

    @pl.when(sid == NUM_SUBCORES - 1)
    def _out_tail():
      tb = NUM_SUBCORES * ROWS_PER_SUBCORE
      pltpu.sync_copy(acc.at[pl.ds(tb, ROWS_TAIL)],
                      out_hbm.at[cid, pl.ds(tb, ROWS_TAIL)])

  return agg


_agg_128 = _make_edge_agg(D_IN)


def _mlp_body(p0, p1, w1, b1, w2, out):
  a = p0[0] + p1[0]
  h = lax.dot_general(a, w1[...], (((1,), (0,)), ((), ())),
                      preferred_element_type=jnp.float32)
  h = jnp.maximum(h + b1[...], 0.0)
  out[...] = lax.dot_general(h, w2[...], (((1,), (0,)), ((), ())),
                             preferred_element_type=jnp.float32)


def _logsoftmax_body(q0, q1, b2, out):
  s = q0[0] + q1[0] + b2[...]
  col = lax.broadcasted_iota(jnp.int32, s.shape, 1)
  s = jnp.where(col < N_CLS, s, -1e30)
  m = jnp.max(s, axis=1, keepdims=True)
  e = jnp.exp(s - m)
  den = jnp.sum(e, axis=1, keepdims=True)
  out[...] = (s - m - jnp.log(den))[:, :N_CLS]


_ROW_BLK = 1000


def kernel(x, edge_index, W1, b1, W2, b2):
  src = edge_index[0].reshape(NUM_TILES, NCHUNK, CHUNK)
  dst = edge_index[1].reshape(NUM_TILES, NCHUNK, CHUNK)
  W2p = jnp.pad(W2, ((0, 0), (0, N_CLS_PAD - N_CLS)))
  b2p = jnp.pad(b2, (0, N_CLS_PAD - N_CLS)).reshape(1, N_CLS_PAD)
  b1r = b1.reshape(1, D_HID)

  p = _agg_128(x, src, dst)

  grid = (N_NODES // _ROW_BLK,)
  r = pl.pallas_call(
      _mlp_body,
      grid=grid,
      in_specs=[
          pl.BlockSpec((1, _ROW_BLK, D_IN), lambda i: (0, i, 0)),
          pl.BlockSpec((1, _ROW_BLK, D_IN), lambda i: (1, i, 0)),
          pl.BlockSpec((D_IN, D_HID), lambda i: (0, 0)),
          pl.BlockSpec((1, D_HID), lambda i: (0, 0)),
          pl.BlockSpec((D_HID, N_CLS_PAD), lambda i: (0, 0)),
      ],
      out_specs=pl.BlockSpec((_ROW_BLK, N_CLS_PAD), lambda i: (i, 0)),
      out_shape=jax.ShapeDtypeStruct((N_NODES, N_CLS_PAD), jnp.float32),
  )(p, p, W1, b1r, W2p)

  q = _agg_128(r, src, dst)

  out = pl.pallas_call(
      _logsoftmax_body,
      grid=grid,
      in_specs=[
          pl.BlockSpec((1, _ROW_BLK, N_CLS_PAD), lambda i: (0, i, 0)),
          pl.BlockSpec((1, _ROW_BLK, N_CLS_PAD), lambda i: (1, i, 0)),
          pl.BlockSpec((1, N_CLS_PAD), lambda i: (0, 0)),
      ],
      out_specs=pl.BlockSpec((_ROW_BLK, N_CLS), lambda i: (i, 0)),
      out_shape=jax.ShapeDtypeStruct((N_NODES, N_CLS), jnp.float32),
  )(q, q, b2p)
  return out

# --- scband reference (transcript-rebuilt; emitter-appended) ---
"""Pipeline reference for scband-gcn-9818295239343 (READ-ONLY COPY).

The authoritative reference and input builder live on the scoring server;
editing this copy changes nothing except your own understanding.
"""

import jax, jax.numpy as jnp
import numpy as np

N_NODES = 10000
N_EDGES = 320000
D_IN = 128
D_HID = 128
N_CLS = 40


def setup_inputs(seed: int = 0) -> dict:
    key = jax.random.key(seed)
    k1, k2, k3, k4, k5, k6 = jax.random.split(key, 6)
    x = jax.random.normal(k1, (N_NODES, D_IN), dtype=jnp.float32)
    edge_index = jax.random.randint(k2, (2, N_EDGES), 0, N_NODES, dtype=jnp.int32)
    # GCNConv linear weights (glorot-style scaling), separate bias added after aggregation
    W1 = jax.random.normal(k3, (D_IN, D_HID), dtype=jnp.float32) * (1.0 / np.sqrt(D_IN))
    b1 = jnp.zeros((D_HID,), dtype=jnp.float32)
    W2 = jax.random.normal(k4, (D_HID, N_CLS), dtype=jnp.float32) * (1.0 / np.sqrt(D_HID))
    b2 = jnp.zeros((N_CLS,), dtype=jnp.float32)
    return {"x": x, "edge_index": edge_index, "W1": W1, "b1": b1, "W2": W2, "b2": b2}


def _gcn_conv(x, src, dst, W, b):
    # GCNConv with normalize=False, add_self_loops=False:
    #   h = x @ W ; out[dst] += h[src] ; out += b
    h = x @ W
    msg = jnp.take(h, src, axis=0)
    out = jax.ops.segment_sum(msg, dst, num_segments=N_NODES)
    return out + b


def reference(x, edge_index, W1, b1, W2, b2):
    src = edge_index[0]
    dst = edge_index[1]
    h = _gcn_conv(x, src, dst, W1, b1)
    h = jax.nn.relu(h)
    h = _gcn_conv(h, src, dst, W2, b2)
    return jax.nn.log_softmax(h, axis=1)

if __name__ == "__main__":
    import jax
    _d = setup_inputs()
    print(jax.jit(kernel)(*tuple(_d.values())))

</pallas_src>

<mosaic_0001>
#map = affine_map<(d0, d1) -> (0, 0)>
#map1 = affine_map<(d0, d1) -> (0, 0, 0)>
module attributes {stable_mosaic.version = 14 : i64} {
  func.func @agg(%arg0: i32, %arg1: i32, %arg2: memref<10000x128xf32, #tpu.memory_space<hbm>>, %arg3: memref<32x125x80xi32, #tpu.memory_space<hbm>>, %arg4: memref<32x125x80xi32, #tpu.memory_space<hbm>>, %arg5: memref<2x10000x128xf32, #tpu.memory_space<hbm>>, %arg6: memref<125x80xi32, #tpu.memory_space<vmem>>, %arg7: memref<125x80xi32, #tpu.memory_space<vmem>>, %arg8: memref<80x128xf32, #tpu.memory_space<vmem>>, %arg9: memref<10000x128xf32, #tpu.memory_space<vmem_shared>>, %arg10: memref<!tpu.dma_semaphore, #tpu.memory_space<semaphore_mem>>) attributes {dimension_semantics = [#tpu.dimension_semantics<core_parallel>, #tpu.dimension_semantics<subcore_parallel>], iteration_bounds = array<i64: 2, 16>, scalar_prefetch = 0 : i64, scratch_operands = 5 : i64, tpu.core_type = #tpu.core_type<sc_vector_subcore>, window_params = [{transform_indices = #map}, {transform_indices = #map1}, {transform_indices = #map1}, {transform_indices = #map1}]} {
    %mul3A = arith.constant 16 : i32
    %mul3A_0 = arith.muli %arg0, %mul3A : i32
    %add3A = arith.addi %mul3A_0, %arg1 : i32
    "tpu.region"() ({
      %run_scoped3A = tpu.sem_alloc : memref<!tpu.dma_semaphore, #tpu.memory_space<semaphore_mem>>
      %dma_start3A = arith.constant 0 : i32
      %dma_start3A_41 = arith.constant 0 : i32
      %dma_start3A_42 = tpu.memref_slice %arg3[%add3A, %dma_start3A, %dma_start3A_41] : memref<32x125x80xi32, #tpu.memory_space<hbm>> -> memref<1x125x80xi32, #tpu.memory_space<hbm>>
      %dma_start3A_43 = tpu.memref_squeeze %dma_start3A_42 : memref<1x125x80xi32, #tpu.memory_space<hbm>> -> memref<125x80xi32, #tpu.memory_space<hbm>>
      %dma_start3A_44 = arith.constant 0 : i32
      %dma_start3A_45 = arith.constant 0 : i32
      %dma_start3A_46 = tpu.memref_slice %arg3[%add3A, %dma_start3A_44, %dma_start3A_45] : memref<32x125x80xi32, #tpu.memory_space<hbm>> -> memref<1x125x80xi32, #tpu.memory_space<hbm>>
      %dma_start3A_47 = tpu.memref_squeeze %dma_start3A_46 : memref<1x125x80xi32, #tpu.memory_space<hbm>> -> memref<125x80xi32, #tpu.memory_space<hbm>>
      tpu.enqueue_dma source(%dma_start3A_47 : memref<125x80xi32, #tpu.memory_space<hbm>>) target(%arg6 : memref<125x80xi32, #tpu.memory_space<vmem>>) target_semaphore(%run_scoped3A : memref<!tpu.dma_semaphore, #tpu.memory_space<semaphore_mem>>)
      %dma_wait3A = arith.constant 0 : i32
      %dma_wait3A_48 = arith.constant 0 : i32
      %dma_wait3A_49 = tpu.memref_slice %arg3[%add3A, %dma_wait3A, %dma_wait3A_48] : memref<32x125x80xi32, #tpu.memory_space<hbm>> -> memref<1x125x80xi32, #tpu.memory_space<hbm>>
      %dma_wait3A_50 = tpu.memref_squeeze %dma_wait3A_49 : memref<1x125x80xi32, #tpu.memory_space<hbm>> -> memref<125x80xi32, #tpu.memory_space<hbm>>
      %dma_wait3A_51 = arith.constant 0 : i32
      %dma_wait3A_52 = arith.constant 0 : i32
      %dma_wait3A_53 = tpu.memref_slice %arg3[%add3A, %dma_wait3A_51, %dma_wait3A_52] : memref<32x125x80xi32, #tpu.memory_space<hbm>> -> memref<1x125x80xi32, #tpu.memory_space<hbm>>
      %dma_wait3A_54 = tpu.memref_squeeze %dma_wait3A_53 : memref<1x125x80xi32, #tpu.memory_space<hbm>> -> memref<125x80xi32, #tpu.memory_space<hbm>>
      tpu.wait_dma2 semaphore(%run_scoped3A : memref<!tpu.dma_semaphore, #tpu.memory_space<semaphore_mem>>) src(%dma_wait3A_54 : memref<125x80xi32, #tpu.memory_space<hbm>>) dst(%arg6 : memref<125x80xi32, #tpu.memory_space<vmem>>)
      tpu.yield
    }) : () -> ()
    "tpu.region"() ({
      %run_scoped3A = tpu.sem_alloc : memref<!tpu.dma_semaphore, #tpu.memory_space<semaphore_mem>>
      %dma_start3A = arith.constant 0 : i32
      %dma_start3A_41 = arith.constant 0 : i32
      %dma_start3A_42 = tpu.memref_slice %arg4[%add3A, %dma_start3A, %dma_start3A_41] : memref<32x125x80xi32, #tpu.memory_space<hbm>> -> memref<1x125x80xi32, #tpu.memory_space<hbm>>
      %dma_start3A_43 = tpu.memref_squeeze %dma_start3A_42 : memref<1x125x80xi32, #tpu.memory_space<hbm>> -> memref<125x80xi32, #tpu.memory_space<hbm>>
      %dma_start3A_44 = arith.constant 0 : i32
      %dma_start3A_45 = arith.constant 0 : i32
      %dma_start3A_46 = tpu.memref_slice %arg4[%add3A, %dma_start3A_44, %dma_start3A_45] : memref<32x125x80xi32, #tpu.memory_space<hbm>> -> memref<1x125x80xi32, #tpu.memory_space<hbm>>
      %dma_start3A_47 = tpu.memref_squeeze %dma_start3A_46 : memref<1x125x80xi32, #tpu.memory_space<hbm>> -> memref<125x80xi32, #tpu.memory_space<hbm>>
      tpu.enqueue_dma source(%dma_start3A_47 : memref<125x80xi32, #tpu.memory_space<hbm>>) target(%arg7 : memref<125x80xi32, #tpu.memory_space<vmem>>) target_semaphore(%run_scoped3A : memref<!tpu.dma_semaphore, #tpu.memory_space<semaphore_mem>>)
      %dma_wait3A = arith.constant 0 : i32
      %dma_wait3A_48 = arith.constant 0 : i32
      %dma_wait3A_49 = tpu.memref_slice %arg4[%add3A, %dma_wait3A, %dma_wait3A_48] : memref<32x125x80xi32, #tpu.memory_space<hbm>> -> memref<1x125x80xi32, #tpu.memory_space<hbm>>
      %dma_wait3A_50 = tpu.memref_squeeze %dma_wait3A_49 : memref<1x125x80xi32, #tpu.memory_space<hbm>> -> memref<125x80xi32, #tpu.memory_space<hbm>>
      %dma_wait3A_51 = arith.constant 0 : i32
      %dma_wait3A_52 = arith.constant 0 : i32
      %dma_wait3A_53 = tpu.memref_slice %arg4[%add3A, %dma_wait3A_51, %dma_wait3A_52] : memref<32x125x80xi32, #tpu.memory_space<hbm>> -> memref<1x125x80xi32, #tpu.memory_space<hbm>>
      %dma_wait3A_54 = tpu.memref_squeeze %dma_wait3A_53 : memref<1x125x80xi32, #tpu.memory_space<hbm>> -> memref<125x80xi32, #tpu.memory_space<hbm>>
      tpu.wait_dma2 semaphore(%run_scoped3A : memref<!tpu.dma_semaphore, #tpu.memory_space<semaphore_mem>>) src(%dma_wait3A_54 : memref<125x80xi32, #tpu.memory_space<hbm>>) dst(%arg7 : memref<125x80xi32, #tpu.memory_space<vmem>>)
      tpu.yield
    }) : () -> ()
    %scan3A = arith.constant 0 : i32
    %scan3A_1 = arith.constant 0 : i32
    %scan3A_2 = arith.constant 640 : i32
    %scan3A_3 = arith.addi %scan3A_1, %scan3A_2 : i32
    %scan3A_4 = arith.constant 1 : i32
    %scan3A_5 = scf.for %scan3A_41 = %scan3A_1 to %scan3A_3 step %scan3A_4 iter_args(%scan3A_42 = %scan3A) -> (i32)  : i32 {
      %jit3A = arith.constant 8 : i32
      %div3A = arith.divsi %scan3A_41, %jit3A : i32
      %sign3A = arith.constant 0 : i32
      %sign3A_43 = arith.cmpi sgt, %scan3A_41, %sign3A : i32
      %sign3A_44 = arith.extui %sign3A_43 : i1 to i32
      %sign3A_45 = arith.constant 0 : i32
      %sign3A_46 = arith.cmpi slt, %scan3A_41, %sign3A_45 : i32
      %sign3A_47 = arith.extui %sign3A_46 : i1 to i32
      %sign3A_48 = arith.subi %sign3A_44, %sign3A_47 : i32
      %sign3A_49 = arith.constant 0 : i32
      %sign3A_50 = arith.cmpi sgt, %jit3A, %sign3A_49 : i32
      %sign3A_51 = arith.extui %sign3A_50 : i1 to i32
      %sign3A_52 = arith.constant 0 : i32
      %sign3A_53 = arith.cmpi slt, %jit3A, %sign3A_52 : i32
      %sign3A_54 = arith.extui %sign3A_53 : i1 to i32
      %sign3A_55 = arith.subi %sign3A_51, %sign3A_54 : i32
      %ne3A = arith.cmpi ne, %sign3A_48, %sign3A_55 : i32
      %rem3A = arith.remsi %scan3A_41, %jit3A : i32
      %ne3A_56 = arith.constant 0 : i32
      %ne3A_57 = arith.cmpi ne, %rem3A, %ne3A_56 : i32
      %and3A = arith.andi %ne3A, %ne3A_57 : i1
      %sub3A_58 = arith.constant 1 : i32
      %sub3A_59 = arith.subi %div3A, %sub3A_58 : i32
      %select_n3A = arith.select %and3A, %sub3A_59, %div3A : i32
      %jit3A_60 = arith.constant 8 : i32
      %eq3A_61 = arith.constant 0 : i32
      %eq3A_62 = arith.cmpi eq, %jit3A_60, %eq3A_61 : i32
      %jit3A_63 = arith.constant 1 : i32
      %select_n3A_64 = arith.select %eq3A_62, %jit3A_63, %jit3A_60 : i32
      %rem3A_65 = arith.remsi %scan3A_41, %select_n3A_64 : i32
      %ne3A_66 = arith.constant 0 : i32
      %ne3A_67 = arith.cmpi ne, %rem3A_65, %ne3A_66 : i32
      %lt3A = arith.constant 0 : i32
      %lt3A_68 = arith.cmpi slt, %rem3A_65, %lt3A : i32
      %lt3A_69 = arith.constant 0 : i32
      %lt3A_70 = arith.cmpi slt, %select_n3A_64, %lt3A_69 : i32
      %ne3A_71 = arith.xori %lt3A_68, %lt3A_70 : i1
      %and3A_72 = arith.andi %ne3A_71, %ne3A_67 : i1
      %add3A_73 = arith.addi %rem3A_65, %select_n3A_64 : i32
      %select_n3A_74 = arith.select %and3A_72, %add3A_73, %rem3A_65 : i32
      %broadcast_in_dim3A = arith.constant 0.000000e+00 : f32
      %broadcast_in_dim3A_75 = vector.broadcast %broadcast_in_dim3A : f32 to vector<16xf32>
      %mul3A_76 = arith.constant 16 : i32
      %mul3A_77 = arith.muli %select_n3A_74, %mul3A_76 : i32
      %swap3A = arith.index_cast %select_n3A : i32 to index
      %swap3A_78 = arith.index_cast %mul3A_77 : i32 to index
      %swap3A_79 = tpu.vector_load %arg8[%swap3A, %swap3A_78] {strides = array<i32>} : memref<80x128xf32, #tpu.memory_space<vmem>>, vector<1x16xf32>,
      %swap3A_80 = vector.shape_cast %swap3A_79 : vector<1x16xf32> to vector<16xf32>
      %swap3A_81 = vector.shape_cast %broadcast_in_dim3A_75 : vector<16xf32> to vector<1x16xf32>
      tpu.vector_store %arg8[%swap3A, %swap3A_78], %swap3A_81 {strides = array<i32>} : memref<80x128xf32, #tpu.memory_space<vmem>>, vector<1x16xf32>,
      %scan3A_82 = arith.constant 0 : i32
      scf.yield %scan3A_82 : i32
    }
    %scan3A_6 = arith.constant 640 : i32
    %mul3A_7 = arith.constant 624 : i32
    %mul3A_8 = arith.muli %arg1, %mul3A_7 : i32
    %add3A_9 = arith.constant 0 : i32
    %add3A_10 = arith.addi %mul3A_8, %add3A_9 : i32
    "tpu.region"() ({
      %run_scoped3A = tpu.sem_alloc : memref<!tpu.dma_semaphore, #tpu.memory_space<semaphore_mem>>
      %dma_start3A = arith.constant 0 : i32
      %dma_start3A_41 = tpu.memref_slice %arg9[%add3A_10, %dma_start3A] : memref<10000x128xf32, #tpu.memory_space<vmem_shared>> -> memref<80x128xf32, #tpu.memory_space<vmem_shared>>
      %dma_start3A_42 = arith.constant 0 : i32
      %dma_start3A_43 = tpu.memref_slice %arg9[%add3A_10, %dma_start3A_42] : memref<10000x128xf32, #tpu.memory_space<vmem_shared>> -> memref<80x128xf32, #tpu.memory_space<vmem_shared>>
      tpu.enqueue_dma source(%arg8 : memref<80x128xf32, #tpu.memory_space<vmem>>) target(%dma_start3A_43 : memref<80x128xf32, #tpu.memory_space<vmem_shared>>) target_semaphore(%run_scoped3A : memref<!tpu.dma_semaphore, #tpu.memory_space<semaphore_mem>>)
      %dma_wait3A = arith.constant 0 : i32
      %dma_wait3A_44 = tpu.memref_slice %arg9[%add3A_10, %dma_wait3A] : memref<10000x128xf32, #tpu.memory_space<vmem_shared>> -> memref<80x128xf32, #tpu.memory_space<vmem_shared>>
      %dma_wait3A_45 = arith.constant 0 : i32
      %dma_wait3A_46 = tpu.memref_slice %arg9[%add3A_10, %dma_wait3A_45] : memref<10000x128xf32, #tpu.memory_space<vmem_shared>> -> memref<80x128xf32, #tpu.memory_space<vmem_shared>>
      tpu.wait_dma2 semaphore(%run_scoped3A : memref<!tpu.dma_semaphore, #tpu.memory_space<semaphore_mem>>) src(%arg8 : memref<80x128xf32, #tpu.memory_space<vmem>>) dst(%dma_wait3A_46 : memref<80x128xf32, #tpu.memory_space<vmem_shared>>)
      tpu.yield
    }) : () -> ()
    %add3A_11 = arith.constant 80 : i32
    %add3A_12 = arith.addi %mul3A_8, %add3A_11 : i32
    "tpu.region"() ({
      %run_scoped3A = tpu.sem_alloc : memref<!tpu.dma_semaphore, #tpu.memory_space<semaphore_mem>>
      %dma_start3A = arith.constant 0 : i32
      %dma_start3A_41 = tpu.memref_slice %arg9[%add3A_12, %dma_start3A] : memref<10000x128xf32, #tpu.memory_space<vmem_shared>> -> memref<80x128xf32, #tpu.memory_space<vmem_shared>>
      %dma_start3A_42 = arith.constant 0 : i32
      %dma_start3A_43 = tpu.memref_slice %arg9[%add3A_12, %dma_start3A_42] : memref<10000x128xf32, #tpu.memory_space<vmem_shared>> -> memref<80x128xf32, #tpu.memory_space<vmem_shared>>
      tpu.enqueue_dma source(%arg8 : memref<80x128xf32, #tpu.memory_space<vmem>>) target(%dma_start3A_43 : memref<80x128xf32, #tpu.memory_space<vmem_shared>>) target_semaphore(%run_scoped3A : memref<!tpu.dma_semaphore, #tpu.memory_space<semaphore_mem>>)
      %dma_wait3A = arith.constant 0 : i32
      %dma_wait3A_44 = tpu.memref_slice %arg9[%add3A_12, %dma_wait3A] : memref<10000x128xf32, #tpu.memory_space<vmem_shared>> -> memref<80x128xf32, #tpu.memory_space<vmem_shared>>
      %dma_wait3A_45 = arith.constant 0 : i32
      %dma_wait3A_46 = tpu.memref_slice %arg9[%add3A_12, %dma_wait3A_45] : memref<10000x128xf32, #tpu.memory_space<vmem_shared>> -> memref<80x128xf32, #tpu.memory_space<vmem_shared>>
      tpu.wait_dma2 semaphore(%run_scoped3A : memref<!tpu.dma_semaphore, #tpu.memory_space<semaphore_mem>>) src(%arg8 : memref<80x128xf32, #tpu.memory_space<vmem>>) dst(%dma_wait3A_46 : memref<80x128xf32, #tpu.memory_space<vmem_shared>>)
      tpu.yield
    }) : () -> ()
    %add3A_13 = arith.constant 160 : i32
    %add3A_14 = arith.addi %mul3A_8, %add3A_13 : i32
    "tpu.region"() ({
      %run_scoped3A = tpu.sem_alloc : memref<!tpu.dma_semaphore, #tpu.memory_space<semaphore_mem>>
      %dma_start3A = arith.constant 0 : i32
      %dma_start3A_41 = tpu.memref_slice %arg9[%add3A_14, %dma_start3A] : memref<10000x128xf32, #tpu.memory_space<vmem_shared>> -> memref<80x128xf32, #tpu.memory_space<vmem_shared>>
      %dma_start3A_42 = arith.constant 0 : i32
      %dma_start3A_43 = tpu.memref_slice %arg9[%add3A_14, %dma_start3A_42] : memref<10000x128xf32, #tpu.memory_space<vmem_shared>> -> memref<80x128xf32, #tpu.memory_space<vmem_shared>>
      tpu.enqueue_dma source(%arg8 : memref<80x128xf32, #tpu.memory_space<vmem>>) target(%dma_start3A_43 : memref<80x128xf32, #tpu.memory_space<vmem_shared>>) target_semaphore(%run_scoped3A : memref<!tpu.dma_semaphore, #tpu.memory_space<semaphore_mem>>)
      %dma_wait3A = arith.constant 0 : i32
      %dma_wait3A_44 = tpu.memref_slice %arg9[%add3A_14, %dma_wait3A] : memref<10000x128xf32, #tpu.memory_space<vmem_shared>> -> memref<80x128xf32, #tpu.memory_space<vmem_shared>>
      %dma_wait3A_45 = arith.constant 0 : i32
      %dma_wait3A_46 = tpu.memref_slice %arg9[%add3A_14, %dma_wait3A_45] : memref<10000x128xf32, #tpu.memory_space<vmem_shared>> -> memref<80x128xf32, #tpu.memory_space<vmem_shared>>
      tpu.wait_dma2 semaphore(%run_scoped3A : memref<!tpu.dma_semaphore, #tpu.memory_space<semaphore_mem>>) src(%arg8 : memref<80x128xf32, #tpu.memory_space<vmem>>) dst(%dma_wait3A_46 : memref<80x128xf32, #tpu.memory_space<vmem_shared>>)
      tpu.yield
    }) : () -> ()
    %add3A_15 = arith.constant 240 : i32
    %add3A_16 = arith.addi %mul3A_8, %add3A_15 : i32
    "tpu.region"() ({
      %run_scoped3A = tpu.sem_alloc : memref<!tpu.dma_semaphore, #tpu.memory_space<semaphore_mem>>
      %dma_start3A = arith.constant 0 : i32
      %dma_start3A_41 = tpu.memref_slice %arg9[%add3A_16, %dma_start3A] : memref<10000x128xf32, #tpu.memory_space<vmem_shared>> -> memref<80x128xf32, #tpu.memory_space<vmem_shared>>
      %dma_start3A_42 = arith.constant 0 : i32
      %dma_start3A_43 = tpu.memref_slice %arg9[%add3A_16, %dma_start3A_42] : memref<10000x128xf32, #tpu.memory_space<vmem_shared>> -> memref<80x128xf32, #tpu.memory_space<vmem_shared>>
      tpu.enqueue_dma source(%arg8 : memref<80x128xf32, #tpu.memory_space<vmem>>) target(%dma_start3A_43 : memref<80x128xf32, #tpu.memory_space<vmem_shared>>) target_semaphore(%run_scoped3A : memref<!tpu.dma_semaphore, #tpu.memory_space<semaphore_mem>>)
      %dma_wait3A = arith.constant 0 : i32
      %dma_wait3A_44 = tpu.memref_slice %arg9[%add3A_16, %dma_wait3A] : memref<10000x128xf32, #tpu.memory_space<vmem_shared>> -> memref<80x128xf32, #tpu.memory_space<vmem_shared>>
      %dma_wait3A_45 = arith.constant 0 : i32
      %dma_wait3A_46 = tpu.memref_slice %arg9[%add3A_16, %dma_wait3A_45] : memref<10000x128xf32, #tpu.memory_space<vmem_shared>> -> memref<80x128xf32, #tpu.memory_space<vmem_shared>>
      tpu.wait_dma2 semaphore(%run_scoped3A : memref<!tpu.dma_semaphore, #tpu.memory_space<semaphore_mem>>) src(%arg8 : memref<80x128xf32, #tpu.memory_space<vmem>>) dst(%dma_wait3A_46 : memref<80x128xf32, #tpu.memory_space<vmem_shared>>)
      tpu.yield
    }) : () -> ()
    %add3A_17 = arith.constant 320 : i32
    %add3A_18 = arith.addi %mul3A_8, %add3A_17 : i32
    "tpu.region"() ({
      %run_scoped3A = tpu.sem_alloc : memref<!tpu.dma_semaphore, #tpu.memory_space<semaphore_mem>>
      %dma_start3A = arith.constant 0 : i32
      %dma_start3A_41 = tpu.memref_slice %arg9[%add3A_18, %dma_start3A] : memref<10000x128xf32, #tpu.memory_space<vmem_shared>> -> memref<80x128xf32, #tpu.memory_space<vmem_shared>>
      %dma_start3A_42 = arith.constant 0 : i32
      %dma_start3A_43 = tpu.memref_slice %arg9[%add3A_18, %dma_start3A_42] : memref<10000x128xf32, #tpu.memory_space<vmem_shared>> -> memref<80x128xf32, #tpu.memory_space<vmem_shared>>
      tpu.enqueue_dma source(%arg8 : memref<80x128xf32, #tpu.memory_space<vmem>>) target(%dma_start3A_43 : memref<80x128xf32, #tpu.memory_space<vmem_shared>>) target_semaphore(%run_scoped3A : memref<!tpu.dma_semaphore, #tpu.memory_space<semaphore_mem>>)
      %dma_wait3A = arith.constant 0 : i32
      %dma_wait3A_44 = tpu.memref_slice %arg9[%add3A_18, %dma_wait3A] : memref<10000x128xf32, #tpu.memory_space<vmem_shared>> -> memref<80x128xf32, #tpu.memory_space<vmem_shared>>
      %dma_wait3A_45 = arith.constant 0 : i32
      %dma_wait3A_46 = tpu.memref_slice %arg9[%add3A_18, %dma_wait3A_45] : memref<10000x128xf32, #tpu.memory_space<vmem_shared>> -> memref<80x128xf32, #tpu.memory_space<vmem_shared>>
      tpu.wait_dma2 semaphore(%run_scoped3A : memref<!tpu.dma_semaphore, #tpu.memory_space<semaphore_mem>>) src(%arg8 : memref<80x128xf32, #tpu.memory_space<vmem>>) dst(%dma_wait3A_46 : memref<80x128xf32, #tpu.memory_space<vmem_shared>>)
      tpu.yield
    }) : () -> ()
    %add3A_19 = arith.constant 400 : i32
    %add3A_20 = arith.addi %mul3A_8, %add3A_19 : i32
    "tpu.region"() ({
      %run_scoped3A = tpu.sem_alloc : memref<!tpu.dma_semaphore, #tpu.memory_space<semaphore_mem>>
      %dma_start3A = arith.constant 0 : i32
      %dma_start3A_41 = tpu.memref_slice %arg9[%add3A_20, %dma_start3A] : memref<10000x128xf32, #tpu.memory_space<vmem_shared>> -> memref<80x128xf32, #tpu.memory_space<vmem_shared>>
      %dma_start3A_42 = arith.constant 0 : i32
      %dma_start3A_43 = tpu.memref_slice %arg9[%add3A_20, %dma_start3A_42] : memref<10000x128xf32, #tpu.memory_space<vmem_shared>> -> memref<80x128xf32, #tpu.memory_space<vmem_shared>>
      tpu.enqueue_dma source(%arg8 : memref<80x128xf32, #tpu.memory_space<vmem>>) target(%dma_start3A_43 : memref<80x128xf32, #tpu.memory_space<vmem_shared>>) target_semaphore(%run_scoped3A : memref<!tpu.dma_semaphore, #tpu.memory_space<semaphore_mem>>)
      %dma_wait3A = arith.constant 0 : i32
      %dma_wait3A_44 = tpu.memref_slice %arg9[%add3A_20, %dma_wait3A] : memref<10000x128xf32, #tpu.memory_space<vmem_shared>> -> memref<80x128xf32, #tpu.memory_space<vmem_shared>>
      %dma_wait3A_45 = arith.constant 0 : i32
      %dma_wait3A_46 = tpu.memref_slice %arg9[%add3A_20, %dma_wait3A_45] : memref<10000x128xf32, #tpu.memory_space<vmem_shared>> -> memref<80x128xf32, #tpu.memory_space<vmem_shared>>
      tpu.wait_dma2 semaphore(%run_scoped3A : memref<!tpu.dma_semaphore, #tpu.memory_space<semaphore_mem>>) src(%arg8 : memref<80x128xf32, #tpu.memory_space<vmem>>) dst(%dma_wait3A_46 : memref<80x128xf32, #tpu.memory_space<vmem_shared>>)
      tpu.yield
    }) : () -> ()
    %add3A_21 = arith.constant 480 : i32
    %add3A_22 = arith.addi %mul3A_8, %add3A_21 : i32
    "tpu.region"() ({
      %run_scoped3A = tpu.sem_alloc : memref<!tpu.dma_semaphore, #tpu.memory_space<semaphore_mem>>
      %dma_start3A = arith.constant 0 : i32
      %dma_start3A_41 = tpu.memref_slice %arg9[%add3A_22, %dma_start3A] : memref<10000x128xf32, #tpu.memory_space<vmem_shared>> -> memref<80x128xf32, #tpu.memory_space<vmem_shared>>
      %dma_start3A_42 = arith.constant 0 : i32
      %dma_start3A_43 = tpu.memref_slice %arg9[%add3A_22, %dma_start3A_42] : memref<10000x128xf32, #tpu.memory_space<vmem_shared>> -> memref<80x128xf32, #tpu.memory_space<vmem_shared>>
      tpu.enqueue_dma source(%arg8 : memref<80x128xf32, #tpu.memory_space<vmem>>) target(%dma_start3A_43 : memref<80x128xf32, #tpu.memory_space<vmem_shared>>) target_semaphore(%run_scoped3A : memref<!tpu.dma_semaphore, #tpu.memory_space<semaphore_mem>>)
      %dma_wait3A = arith.constant 0 : i32
      %dma_wait3A_44 = tpu.memref_slice %arg9[%add3A_22, %dma_wait3A] : memref<10000x128xf32, #tpu.memory_space<vmem_shared>> -> memref<80x128xf32, #tpu.memory_space<vmem_shared>>
      %dma_wait3A_45 = arith.constant 0 : i32
      %dma_wait3A_46 = tpu.memref_slice %arg9[%add3A_22, %dma_wait3A_45] : memref<10000x128xf32, #tpu.memory_space<vmem_shared>> -> memref<80x128xf32, #tpu.memory_space<vmem_shared>>
      tpu.wait_dma2 semaphore(%run_scoped3A : memref<!tpu.dma_semaphore, #tpu.memory_space<semaphore_mem>>) src(%arg8 : memref<80x128xf32, #tpu.memory_space<vmem>>) dst(%dma_wait3A_46 : memref<80x128xf32, #tpu.memory_space<vmem_shared>>)
      tpu.yield
    }) : () -> ()
    %add3A_23 = arith.constant 624 : i32
    %add3A_24 = arith.addi %mul3A_8, %add3A_23 : i32
    %sub3A = arith.constant 64 : i32
    %sub3A_25 = arith.subi %add3A_24, %sub3A : i32
    "tpu.region"() ({
      %run_scoped3A = tpu.sem_alloc : memref<!tpu.dma_semaphore, #tpu.memory_space<semaphore_mem>>
      %dma_start3A = arith.constant 0 : i32
      %dma_start3A_41 = arith.constant 0 : i32
      %dma_start3A_42 = tpu.memref_slice %arg8[%dma_start3A, %dma_start3A_41] : memref<80x128xf32, #tpu.memory_space<vmem>> -> memref<64x128xf32, #tpu.memory_space<vmem>>
      %dma_start3A_43 = arith.constant 0 : i32
      %dma_start3A_44 = tpu.memref_slice %arg9[%sub3A_25, %dma_start3A_43] : memref<10000x128xf32, #tpu.memory_space<vmem_shared>> -> memref<64x128xf32, #tpu.memory_space<vmem_shared>>
      %dma_start3A_45 = arith.constant 0 : i32
      %dma_start3A_46 = tpu.memref_slice %arg9[%sub3A_25, %dma_start3A_45] : memref<10000x128xf32, #tpu.memory_space<vmem_shared>> -> memref<64x128xf32, #tpu.memory_space<vmem_shared>>
      %dma_start3A_47 = arith.constant 0 : i32
      %dma_start3A_48 = arith.constant 0 : i32
      %dma_start3A_49 = tpu.memref_slice %arg8[%dma_start3A_47, %dma_start3A_48] : memref<80x128xf32, #tpu.memory_space<vmem>> -> memref<64x128xf32, #tpu.memory_space<vmem>>
      tpu.enqueue_dma source(%dma_start3A_49 : memref<64x128xf32, #tpu.memory_space<vmem>>) target(%dma_start3A_46 : memref<64x128xf32, #tpu.memory_space<vmem_shared>>) target_semaphore(%run_scoped3A : memref<!tpu.dma_semaphore, #tpu.memory_space<semaphore_mem>>)
      %dma_wait3A = arith.constant 0 : i32
      %dma_wait3A_50 = arith.constant 0 : i32
      %dma_wait3A_51 = tpu.memref_slice %arg8[%dma_wait3A, %dma_wait3A_50] : memref<80x128xf32, #tpu.memory_space<vmem>> -> memref<64x128xf32, #tpu.memory_space<vmem>>
      %dma_wait3A_52 = arith.constant 0 : i32
      %dma_wait3A_53 = tpu.memref_slice %arg9[%sub3A_25, %dma_wait3A_52] : memref<10000x128xf32, #tpu.memory_space<vmem_shared>> -> memref<64x128xf32, #tpu.memory_space<vmem_shared>>
      %dma_wait3A_54 = arith.constant 0 : i32
      %dma_wait3A_55 = tpu.memref_slice %arg9[%sub3A_25, %dma_wait3A_54] : memref<10000x128xf32, #tpu.memory_space<vmem_shared>> -> memref<64x128xf32, #tpu.memory_space<vmem_shared>>
      %dma_wait3A_56 = arith.constant 0 : i32
      %dma_wait3A_57 = arith.constant 0 : i32
      %dma_wait3A_58 = tpu.memref_slice %arg8[%dma_wait3A_56, %dma_wait3A_57] : memref<80x128xf32, #tpu.memory_space<vmem>> -> memref<64x128xf32, #tpu.memory_space<vmem>>
      tpu.wait_dma2 semaphore(%run_scoped3A : memref<!tpu.dma_semaphore, #tpu.memory_space<semaphore_mem>>) src(%dma_wait3A_58 : memref<64x128xf32, #tpu.memory_space<vmem>>) dst(%dma_wait3A_55 : memref<64x128xf32, #tpu.memory_space<vmem_shared>>)
      tpu.yield
    }) : () -> ()
    %eq3A = arith.constant 15 : i32
    %eq3A_26 = arith.cmpi eq, %arg1, %eq3A : i32
    %convert_element_type3A = arith.extui %eq3A_26 : i1 to i32
    %cond3A = arith.constant 0 : i32
    %cond3A_27 = arith.cmpi ne, %convert_element_type3A, %cond3A : i32
    scf.if %cond3A_27 {
      "tpu.region"() ({
        %run_scoped3A = tpu.sem_alloc : memref<!tpu.dma_semaphore, #tpu.memory_space<semaphore_mem>>
        %dma_start3A = arith.constant 0 : i32
        %dma_start3A_41 = arith.constant 0 : i32
        %dma_start3A_42 = tpu.memref_slice %arg8[%dma_start3A, %dma_start3A_41] : memref<80x128xf32, #tpu.memory_space<vmem>> -> memref<16x128xf32, #tpu.memory_space<vmem>>
        %dma_start3A_43 = arith.constant 9984 : i32
        %dma_start3A_44 = arith.constant 0 : i32
        %dma_start3A_45 = tpu.memref_slice %arg9[%dma_start3A_43, %dma_start3A_44] : memref<10000x128xf32, #tpu.memory_space<vmem_shared>> -> memref<16x128xf32, #tpu.memory_space<vmem_shared>>
        %dma_start3A_46 = arith.constant 9984 : i32
        %dma_start3A_47 = arith.constant 0 : i32
        %dma_start3A_48 = tpu.memref_slice %arg9[%dma_start3A_46, %dma_start3A_47] : memref<10000x128xf32, #tpu.memory_space<vmem_shared>> -> memref<16x128xf32, #tpu.memory_space<vmem_shared>>
        %dma_start3A_49 = arith.constant 0 : i32
        %dma_start3A_50 = arith.constant 0 : i32
        %dma_start3A_51 = tpu.memref_slice %arg8[%dma_start3A_49, %dma_start3A_50] : memref<80x128xf32, #tpu.memory_space<vmem>> -> memref<16x128xf32, #tpu.memory_space<vmem>>
        tpu.enqueue_dma source(%dma_start3A_51 : memref<16x128xf32, #tpu.memory_space<vmem>>) target(%dma_start3A_48 : memref<16x128xf32, #tpu.memory_space<vmem_shared>>) target_semaphore(%run_scoped3A : memref<!tpu.dma_semaphore, #tpu.memory_space<semaphore_mem>>)
        %dma_wait3A = arith.constant 0 : i32
        %dma_wait3A_52 = arith.constant 0 : i32
        %dma_wait3A_53 = tpu.memref_slice %arg8[%dma_wait3A, %dma_wait3A_52] : memref<80x128xf32, #tpu.memory_space<vmem>> -> memref<16x128xf32, #tpu.memory_space<vmem>>
        %dma_wait3A_54 = arith.constant 9984 : i32
        %dma_wait3A_55 = arith.constant 0 : i32
        %dma_wait3A_56 = tpu.memref_slice %arg9[%dma_wait3A_54, %dma_wait3A_55] : memref<10000x128xf32, #tpu.memory_space<vmem_shared>> -> memref<16x128xf32, #tpu.memory_space<vmem_shared>>
        %dma_wait3A_57 = arith.constant 9984 : i32
        %dma_wait3A_58 = arith.constant 0 : i32
        %dma_wait3A_59 = tpu.memref_slice %arg9[%dma_wait3A_57, %dma_wait3A_58] : memref<10000x128xf32, #tpu.memory_space<vmem_shared>> -> memref<16x128xf32, #tpu.memory_space<vmem_shared>>
        %dma_wait3A_60 = arith.constant 0 : i32
        %dma_wait3A_61 = arith.constant 0 : i32
        %dma_wait3A_62 = tpu.memref_slice %arg8[%dma_wait3A_60, %dma_wait3A_61] : memref<80x128xf32, #tpu.memory_space<vmem>> -> memref<16x128xf32, #tpu.memory_space<vmem>>
        tpu.wait_dma2 semaphore(%run_scoped3A : memref<!tpu.dma_semaphore, #tpu.memory_space<semaphore_mem>>) src(%dma_wait3A_62 : memref<16x128xf32, #tpu.memory_space<vmem>>) dst(%dma_wait3A_59 : memref<16x128xf32, #tpu.memory_space<vmem_shared>>)
        tpu.yield
      }) : () -> ()
    } else {
    }
    %barrier3A = arith.constant 0 : index
    tpu.barrier barrier_id(%barrier3A)
    %scan3A_28 = arith.constant 0 : i32
    %scan3A_29 = arith.constant 0 : i32
    %scan3A_30 = arith.constant 125 : i32
    %scan3A_31 = arith.addi %scan3A_29, %scan3A_30 : i32
    %scan3A_32 = arith.constant 1 : i32
    %scan3A_33 = scf.for %scan3A_41 = %scan3A_29 to %scan3A_31 step %scan3A_32 iter_args(%scan3A_42 = %scan3A_28) -> (i32)  : i32 {
      %dma_start3A = arith.constant 0 : i32
      %dma_start3A_43 = tpu.memref_slice %arg6[%scan3A_41, %dma_start3A] : memref<125x80xi32, #tpu.memory_space<vmem>> -> memref<1x80xi32, #tpu.memory_space<vmem>>
      %dma_start3A_44 = tpu.memref_squeeze %dma_start3A_43 : memref<1x80xi32, #tpu.memory_space<vmem>> -> memref<80xi32, #tpu.memory_space<vmem>>
      %dma_start3A_45 = arith.constant 0 : i32
      %dma_start3A_46 = arith.constant 0 : i32
      %dma_start3A_47 = tpu.memref_slice %arg2[%dma_start3A_45, %dma_start3A_46] : memref<10000x128xf32, #tpu.memory_space<hbm>> -> memref<10000x128xf32, #tpu.memory_space<hbm>>
      tpu.enqueue_indirect_dma source(%dma_start3A_47 : memref<10000x128xf32, #tpu.memory_space<hbm>>) target(%arg8 : memref<80x128xf32, #tpu.memory_space<vmem>>) offsets(%dma_start3A_44 : memref<80xi32, #tpu.memory_space<vmem>>) semaphore(%arg10 : memref<!tpu.dma_semaphore, #tpu.memory_space<semaphore_mem>>)
      %dma_wait3A = arith.constant 0 : i32
      %dma_wait3A_48 = tpu.memref_slice %arg6[%scan3A_41, %dma_wait3A] : memref<125x80xi32, #tpu.memory_space<vmem>> -> memref<1x80xi32, #tpu.memory_space<vmem>>
      %dma_wait3A_49 = tpu.memref_squeeze %dma_wait3A_48 : memref<1x80xi32, #tpu.memory_space<vmem>> -> memref<80xi32, #tpu.memory_space<vmem>>
      %dma_wait3A_50 = arith.constant 0 : i32
      %dma_wait3A_51 = arith.constant 0 : i32
      %dma_wait3A_52 = tpu.memref_slice %arg2[%dma_wait3A_50, %dma_wait3A_51] : memref<10000x128xf32, #tpu.memory_space<hbm>> -> memref<10000x128xf32, #tpu.memory_space<hbm>>
      tpu.wait_indirect_dma semaphore(%arg10 : memref<!tpu.dma_semaphore, #tpu.memory_space<semaphore_mem>>) src(%dma_wait3A_52 : memref<10000x128xf32, #tpu.memory_space<hbm>>) dst(%arg8 : memref<80x128xf32, #tpu.memory_space<vmem>>)
      "tpu.region"() ({
        %run_scoped3A = tpu.sem_alloc : memref<!tpu.dma_semaphore, #tpu.memory_space<semaphore_mem>>
        %dma_start3A_54 = arith.constant 0 : i32
        %dma_start3A_55 = tpu.memref_slice %arg7[%scan3A_41, %dma_start3A_54] : memref<125x80xi32, #tpu.memory_space<vmem>> -> memref<1x80xi32, #tpu.memory_space<vmem>>
        %dma_start3A_56 = tpu.memref_squeeze %dma_start3A_55 : memref<1x80xi32, #tpu.memory_space<vmem>> -> memref<80xi32, #tpu.memory_space<vmem>>
        %dma_start3A_57 = arith.constant 0 : i32
        %dma_start3A_58 = arith.constant 0 : i32
        %dma_start3A_59 = tpu.memref_slice %arg9[%dma_start3A_57, %dma_start3A_58] : memref<10000x128xf32, #tpu.memory_space<vmem_shared>> -> memref<10000x128xf32, #tpu.memory_space<vmem_shared>>
        tpu.enqueue_indirect_dma source(%arg8 : memref<80x128xf32, #tpu.memory_space<vmem>>) target(%dma_start3A_59 : memref<10000x128xf32, #tpu.memory_space<vmem_shared>>) offsets(%dma_start3A_56 : memref<80xi32, #tpu.memory_space<vmem>>) semaphore(%run_scoped3A : memref<!tpu.dma_semaphore, #tpu.memory_space<semaphore_mem>>) {add = true}
        %dma_wait3A_60 = arith.constant 0 : i32
        %dma_wait3A_61 = tpu.memref_slice %arg7[%scan3A_41, %dma_wait3A_60] : memref<125x80xi32, #tpu.memory_space<vmem>> -> memref<1x80xi32, #tpu.memory_space<vmem>>
        %dma_wait3A_62 = tpu.memref_squeeze %dma_wait3A_61 : memref<1x80xi32, #tpu.memory_space<vmem>> -> memref<80xi32, #tpu.memory_space<vmem>>
        %dma_wait3A_63 = arith.constant 0 : i32
        %dma_wait3A_64 = arith.constant 0 : i32
        %dma_wait3A_65 = tpu.memref_slice %arg9[%dma_wait3A_63, %dma_wait3A_64] : memref<10000x128xf32, #tpu.memory_space<vmem_shared>> -> memref<10000x128xf32, #tpu.memory_space<vmem_shared>>
        tpu.wait_indirect_dma semaphore(%run_scoped3A : memref<!tpu.dma_semaphore, #tpu.memory_space<semaphore_mem>>) src(%arg8 : memref<80x128xf32, #tpu.memory_space<vmem>>) dst(%dma_wait3A_65 : memref<10000x128xf32, #tpu.memory_space<vmem_shared>>)
        tpu.yield
      }) : () -> ()
      %scan3A_53 = arith.constant 0 : i32
      scf.yield %scan3A_53 : i32
    }
    %scan3A_34 = arith.constant 125 : i32
    %barrier3A_35 = arith.constant 0 : index
    tpu.barrier barrier_id(%barrier3A_35)
    "tpu.region"() ({
      %run_scoped3A = tpu.sem_alloc : memref<!tpu.dma_semaphore, #tpu.memory_space<semaphore_mem>>
      %dma_start3A = arith.constant 0 : i32
      %dma_start3A_41 = tpu.memref_slice %arg5[%arg0, %mul3A_8, %dma_start3A] : memref<2x10000x128xf32, #tpu.memory_space<hbm>> -> memref<1x624x128xf32, #tpu.memory_space<hbm>>
      %dma_start3A_42 = tpu.memref_squeeze %dma_start3A_41 : memref<1x624x128xf32, #tpu.memory_space<hbm>> -> memref<624x128xf32, #tpu.memory_space<hbm>>
      %dma_start3A_43 = arith.constant 0 : i32
      %dma_start3A_44 = tpu.memref_slice %arg9[%mul3A_8, %dma_start3A_43] : memref<10000x128xf32, #tpu.memory_space<vmem_shared>> -> memref<624x128xf32, #tpu.memory_space<vmem_shared>>
      tpu.enqueue_dma source(%dma_start3A_44 : memref<624x128xf32, #tpu.memory_space<vmem_shared>>) target(%dma_start3A_42 : memref<624x128xf32, #tpu.memory_space<hbm>>) target_semaphore(%run_scoped3A : memref<!tpu.dma_semaphore, #tpu.memory_space<semaphore_mem>>)
      %dma_wait3A = arith.constant 0 : i32
      %dma_wait3A_45 = tpu.memref_slice %arg5[%arg0, %mul3A_8, %dma_wait3A] : memref<2x10000x128xf32, #tpu.memory_space<hbm>> -> memref<1x624x128xf32, #tpu.memory_space<hbm>>
      %dma_wait3A_46 = tpu.memref_squeeze %dma_wait3A_45 : memref<1x624x128xf32, #tpu.memory_space<hbm>> -> memref<624x128xf32, #tpu.memory_space<hbm>>
      %dma_wait3A_47 = arith.constant 0 : i32
      %dma_wait3A_48 = tpu.memref_slice %arg9[%mul3A_8, %dma_wait3A_47] : memref<10000x128xf32, #tpu.memory_space<vmem_shared>> -> memref<624x128xf32, #tpu.memory_space<vmem_shared>>
      tpu.wait_dma2 semaphore(%run_scoped3A : memref<!tpu.dma_semaphore, #tpu.memory_space<semaphore_mem>>) src(%dma_wait3A_48 : memref<624x128xf32, #tpu.memory_space<vmem_shared>>) dst(%dma_wait3A_46 : memref<624x128xf32, #tpu.memory_space<hbm>>)
      tpu.yield
    }) : () -> ()
    %eq3A_36 = arith.constant 15 : i32
    %eq3A_37 = arith.cmpi eq, %arg1, %eq3A_36 : i32
    %convert_element_type3A_38 = arith.extui %eq3A_37 : i1 to i32
    %cond3A_39 = arith.constant 0 : i32
    %cond3A_40 = arith.cmpi ne, %convert_element_type3A_38, %cond3A_39 : i32
    scf.if %cond3A_40 {
      "tpu.region"() ({
        %run_scoped3A = tpu.sem_alloc : memref<!tpu.dma_semaphore, #tpu.memory_space<semaphore_mem>>
        %dma_start3A = arith.constant 9984 : i32
        %dma_start3A_41 = arith.constant 0 : i32
        %dma_start3A_42 = tpu.memref_slice %arg5[%arg0, %dma_start3A, %dma_start3A_41] : memref<2x10000x128xf32, #tpu.memory_space<hbm>> -> memref<1x16x128xf32, #tpu.memory_space<hbm>>
        %dma_start3A_43 = tpu.memref_squeeze %dma_start3A_42 : memref<1x16x128xf32, #tpu.memory_space<hbm>> -> memref<16x128xf32, #tpu.memory_space<hbm>>
        %dma_start3A_44 = arith.constant 9984 : i32
        %dma_start3A_45 = arith.constant 0 : i32
        %dma_start3A_46 = tpu.memref_slice %arg9[%dma_start3A_44, %dma_start3A_45] : memref<10000x128xf32, #tpu.memory_space<vmem_shared>> -> memref<16x128xf32, #tpu.memory_space<vmem_shared>>
        tpu.enqueue_dma source(%dma_start3A_46 : memref<16x128xf32, #tpu.memory_space<vmem_shared>>) target(%dma_start3A_43 : memref<16x128xf32, #tpu.memory_space<hbm>>) target_semaphore(%run_scoped3A : memref<!tpu.dma_semaphore, #tpu.memory_space<semaphore_mem>>)
        %dma_wait3A = arith.constant 9984 : i32
        %dma_wait3A_47 = arith.constant 0 : i32
        %dma_wait3A_48 = tpu.memref_slice %arg5[%arg0, %dma_wait3A, %dma_wait3A_47] : memref<2x10000x128xf32, #tpu.memory_space<hbm>> -> memref<1x16x128xf32, #tpu.memory_space<hbm>>
        %dma_wait3A_49 = tpu.memref_squeeze %dma_wait3A_48 : memref<1x16x128xf32, #tpu.memory_space<hbm>> -> memref<16x128xf32, #tpu.memory_space<hbm>>
        %dma_wait3A_50 = arith.constant 9984 : i32
        %dma_wait3A_51 = arith.constant 0 : i32
        %dma_wait3A_52 = tpu.memref_slice %arg9[%dma_wait3A_50, %dma_wait3A_51] : memref<10000x128xf32, #tpu.memory_space<vmem_shared>> -> memref<16x128xf32, #tpu.memory_space<vmem_shared>>
        tpu.wait_dma2 semaphore(%run_scoped3A : memref<!tpu.dma_semaphore, #tpu.memory_space<semaphore_mem>>) src(%dma_wait3A_52 : memref<16x128xf32, #tpu.memory_space<vmem_shared>>) dst(%dma_wait3A_49 : memref<16x128xf32, #tpu.memory_space<hbm>>)
        tpu.yield
      }) : () -> ()
    } else {
    }
    return
  }
}

#map = affine_map<(d0, d1) -> (0, 0)>
#map1 = affine_map<(d0, d1) -> (0, 0, 0)>
module attributes {stable_mosaic.version = 14 : i64} {
  func.func @agg(%arg0: i32, %arg1: i32, %arg2: memref<10000x128xf32, #tpu.memory_space<hbm>>, %arg3: memref<32x125x80xi32, #tpu.memory_space<hbm>>, %arg4: memref<32x125x80xi32, #tpu.memory_space<hbm>>, %arg5: memref<2x10000x128xf32, #tpu.memory_space<hbm>>, %arg6: memref<125x80xi32, #tpu.memory_space<vmem>>, %arg7: memref<125x80xi32, #tpu.memory_space<vmem>>, %arg8: memref<80x128xf32, #tpu.memory_space<vmem>>, %arg9: memref<10000x128xf32, #tpu.memory_space<vmem_shared>>, %arg10: memref<!tpu.dma_semaphore, #tpu.memory_space<semaphore_mem>>) attributes {dimension_semantics = [#tpu.dimension_semantics<core_parallel>, #tpu.dimension_semantics<subcore_parallel>], iteration_bounds = array<i64: 2, 16>, scalar_prefetch = 0 : i64, scratch_operands = 5 : i64, tpu.core_type = #tpu.core_type<sc_vector_subcore>, window_params = [{transform_indices = #map}, {transform_indices = #map1}, {transform_indices = #map1}, {transform_indices = #map1}]} {
    %mul3A = arith.constant 16 : i32
    %mul3A_0 = arith.muli %arg0, %mul3A : i32
    %add3A = arith.addi %mul3A_0, %arg1 : i32
    "tpu.region"() ({
      %run_scoped3A = tpu.sem_alloc : memref<!tpu.dma_semaphore, #tpu.memory_space<semaphore_mem>>
      %dma_start3A = arith.constant 0 : i32
      %dma_start3A_41 = arith.constant 0 : i32
      %dma_start3A_42 = tpu.memref_slice %arg3[%add3A, %dma_start3A, %dma_start3A_41] : memref<32x125x80xi32, #tpu.memory_space<hbm>> -> memref<1x125x80xi32, #tpu.memory_space<hbm>>
      %dma_start3A_43 = tpu.memref_squeeze %dma_start3A_42 : memref<1x125x80xi32, #tpu.memory_space<hbm>> -> memref<125x80xi32, #tpu.memory_space<hbm>>
      %dma_start3A_44 = arith.constant 0 : i32
      %dma_start3A_45 = arith.constant 0 : i32
      %dma_start3A_46 = tpu.memref_slice %arg3[%add3A, %dma_start3A_44, %dma_start3A_45] : memref<32x125x80xi32, #tpu.memory_space<hbm>> -> memref<1x125x80xi32, #tpu.memory_space<hbm>>
      %dma_start3A_47 = tpu.memref_squeeze %dma_start3A_46 : memref<1x125x80xi32, #tpu.memory_space<hbm>> -> memref<125x80xi32, #tpu.memory_space<hbm>>
      tpu.enqueue_dma source(%dma_start3A_47 : memref<125x80xi32, #tpu.memory_space<hbm>>) target(%arg6 : memref<125x80xi32, #tpu.memory_space<vmem>>) target_semaphore(%run_scoped3A : memref<!tpu.dma_semaphore, #tpu.memory_space<semaphore_mem>>)
      %dma_wait3A = arith.constant 0 : i32
      %dma_wait3A_48 = arith.constant 0 : i32
      %dma_wait3A_49 = tpu.memref_slice %arg3[%add3A, %dma_wait3A, %dma_wait3A_48] : memref<32x125x80xi32, #tpu.memory_space<hbm>> -> memref<1x125x80xi32, #tpu.memory_space<hbm>>
      %dma_wait3A_50 = tpu.memref_squeeze %dma_wait3A_49 : memref<1x125x80xi32, #tpu.memory_space<hbm>> -> memref<125x80xi32, #tpu.memory_space<hbm>>
      %dma_wait3A_51 = arith.constant 0 : i32
      %dma_wait3A_52 = arith.constant 0 : i32
      %dma_wait3A_53 = tpu.memref_slice %arg3[%add3A, %dma_wait3A_51, %dma_wait3A_52] : memref<32x125x80xi32, #tpu.memory_space<hbm>> -> memref<1x125x80xi32, #tpu.memory_space<hbm>>
      %dma_wait3A_54 = tpu.memref_squeeze %dma_wait3A_53 : memref<1x125x80xi32, #tpu.memory_space<hbm>> -> memref<125x80xi32, #tpu.memory_space<hbm>>
      tpu.wait_dma2 semaphore(%run_scoped3A : memref<!tpu.dma_semaphore, #tpu.memory_space<semaphore_mem>>) src(%dma_wait3A_54 : memref<125x80xi32, #tpu.memory_space<hbm>>) dst(%arg6 : memref<125x80xi32, #tpu.memory_space<vmem>>)
      tpu.yield
    }) : () -> ()
    "tpu.region"() ({
      %run_scoped3A = tpu.sem_alloc : memref<!tpu.dma_semaphore, #tpu.memory_space<semaphore_mem>>
      %dma_start3A = arith.constant 0 : i32
      %dma_start3A_41 = arith.constant 0 : i32
      %dma_start3A_42 = tpu.memref_slice %arg4[%add3A, %dma_start3A, %dma_start3A_41] : memref<32x125x80xi32, #tpu.memory_space<hbm>> -> memref<1x125x80xi32, #tpu.memory_space<hbm>>
      %dma_start3A_43 = tpu.memref_squeeze %dma_start3A_42 : memref<1x125x80xi32, #tpu.memory_space<hbm>> -> memref<125x80xi32, #tpu.memory_space<hbm>>
      %dma_start3A_44 = arith.constant 0 : i32
      %dma_start3A_45 = arith.constant 0 : i32
      %dma_start3A_46 = tpu.memref_slice %arg4[%add3A, %dma_start3A_44, %dma_start3A_45] : memref<32x125x80xi32, #tpu.memory_space<hbm>> -> memref<1x125x80xi32, #tpu.memory_space<hbm>>
      %dma_start3A_47 = tpu.memref_squeeze %dma_start3A_46 : memref<1x125x80xi32, #tpu.memory_space<hbm>> -> memref<125x80xi32, #tpu.memory_space<hbm>>
      tpu.enqueue_dma source(%dma_start3A_47 : memref<125x80xi32, #tpu.memory_space<hbm>>) target(%arg7 : memref<125x80xi32, #tpu.memory_space<vmem>>) target_semaphore(%run_scoped3A : memref<!tpu.dma_semaphore, #tpu.memory_space<semaphore_mem>>)
      %dma_wait3A = arith.constant 0 : i32
      %dma_wait3A_48 = arith.constant 0 : i32
      %dma_wait3A_49 = tpu.memref_slice %arg4[%add3A, %dma_wait3A, %dma_wait3A_48] : memref<32x125x80xi32, #tpu.memory_space<hbm>> -> memref<1x125x80xi32, #tpu.memory_space<hbm>>
      %dma_wait3A_50 = tpu.memref_squeeze %dma_wait3A_49 : memref<1x125x80xi32, #tpu.memory_space<hbm>> -> memref<125x80xi32, #tpu.memory_space<hbm>>
      %dma_wait3A_51 = arith.constant 0 : i32
      %dma_wait3A_52 = arith.constant 0 : i32
      %dma_wait3A_53 = tpu.memref_slice %arg4[%add3A, %dma_wait3A_51, %dma_wait3A_52] : memref<32x125x80xi32, #tpu.memory_space<hbm>> -> memref<1x125x80xi32, #tpu.memory_space<hbm>>
      %dma_wait3A_54 = tpu.memref_squeeze %dma_wait3A_53 : memref<1x125x80xi32, #tpu.memory_space<hbm>> -> memref<125x80xi32, #tpu.memory_space<hbm>>
      tpu.wait_dma2 semaphore(%run_scoped3A : memref<!tpu.dma_semaphore, #tpu.memory_space<semaphore_mem>>) src(%dma_wait3A_54 : memref<125x80xi32, #tpu.memory_space<hbm>>) dst(%arg7 : memref<125x80xi32, #tpu.memory_space<vmem>>)
      tpu.yield
    }) : () -> ()
    %scan3A = arith.constant 0 : i32
    %scan3A_1 = arith.constant 0 : i32
    %scan3A_2 = arith.constant 640 : i32
    %scan3A_3 = arith.addi %scan3A_1, %scan3A_2 : i32
    %scan3A_4 = arith.constant 1 : i32
    %scan3A_5 = scf.for %scan3A_41 = %scan3A_1 to %scan3A_3 step %scan3A_4 iter_args(%scan3A_42 = %scan3A) -> (i32)  : i32 {
      %jit3A = arith.constant 8 : i32
      %div3A = arith.divsi %scan3A_41, %jit3A : i32
      %sign3A = arith.constant 0 : i32
      %sign3A_43 = arith.cmpi sgt, %scan3A_41, %sign3A : i32
      %sign3A_44 = arith.extui %sign3A_43 : i1 to i32
      %sign3A_45 = arith.constant 0 : i32
      %sign3A_46 = arith.cmpi slt, %scan3A_41, %sign3A_45 : i32
      %sign3A_47 = arith.extui %sign3A_46 : i1 to i32
      %sign3A_48 = arith.subi %sign3A_44, %sign3A_47 : i32
      %sign3A_49 = arith.constant 0 : i32
      %sign3A_50 = arith.cmpi sgt, %jit3A, %sign3A_49 : i32
      %sign3A_51 = arith.extui %sign3A_50 : i1 to i32
      %sign3A_52 = arith.constant 0 : i32
      %sign3A_53 = arith.cmpi slt, %jit3A, %sign3A_52 : i32
      %sign3A_54 = arith.extui %sign3A_53 : i1 to i32
      %sign3A_55 = arith.subi %sign3A_51, %sign3A_54 : i32
      %ne3A = arith.cmpi ne, %sign3A_48, %sign3A_55 : i32
      %rem3A = arith.remsi %scan3A_41, %jit3A : i32
      %ne3A_56 = arith.constant 0 : i32
      %ne3A_57 = arith.cmpi ne, %rem3A, %ne3A_56 : i32
      %and3A = arith.andi %ne3A, %ne3A_57 : i1
      %sub3A_58 = arith.constant 1 : i32
      %sub3A_59 = arith.subi %div3A, %sub3A_58 : i32
      %select_n3A = arith.select %and3A, %sub3A_59, %div3A : i32
      %jit3A_60 = arith.constant 8 : i32
      %eq3A_61 = arith.constant 0 : i32
      %eq3A_62 = arith.cmpi eq, %jit3A_60, %eq3A_61 : i32
      %jit3A_63 = arith.constant 1 : i32
      %select_n3A_64 = arith.select %eq3A_62, %jit3A_63, %jit3A_60 : i32
      %rem3A_65 = arith.remsi %scan3A_41, %select_n3A_64 : i32
      %ne3A_66 = arith.constant 0 : i32
      %ne3A_67 = arith.cmpi ne, %rem3A_65, %ne3A_66 : i32
      %lt3A = arith.constant 0 : i32
      %lt3A_68 = arith.cmpi slt, %rem3A_65, %lt3A : i32
      %lt3A_69 = arith.constant 0 : i32
      %lt3A_70 = arith.cmpi slt, %select_n3A_64, %lt3A_69 : i32
      %ne3A_71 = arith.xori %lt3A_68, %lt3A_70 : i1
      %and3A_72 = arith.andi %ne3A_71, %ne3A_67 : i1
      %add3A_73 = arith.addi %rem3A_65, %select_n3A_64 : i32
      %select_n3A_74 = arith.select %and3A_72, %add3A_73, %rem3A_65 : i32
      %broadcast_in_dim3A = arith.constant 0.000000e+00 : f32
      %broadcast_in_dim3A_75 = vector.broadcast %broadcast_in_dim3A : f32 to vector<16xf32>
      %mul3A_76 = arith.constant 16 : i32
      %mul3A_77 = arith.muli %select_n3A_74, %mul3A_76 : i32
      %swap3A = arith.index_cast %select_n3A : i32 to index
      %swap3A_78 = arith.index_cast %mul3A_77 : i32 to index
      %swap3A_79 = tpu.vector_load %arg8[%swap3A, %swap3A_78] {strides = array<i32>} : memref<80x128xf32, #tpu.memory_space<vmem>>, vector<1x16xf32>,
      %swap3A_80 = vector.shape_cast %swap3A_79 : vector<1x16xf32> to vector<16xf32>
      %swap3A_81 = vector.shape_cast %broadcast_in_dim3A_75 : vector<16xf32> to vector<1x16xf32>
      tpu.vector_store %arg8[%swap3A, %swap3A_78], %swap3A_81 {strides = array<i32>} : memref<80x128xf32, #tpu.memory_space<vmem>>, vector<1x16xf32>,
      %scan3A_82 = arith.constant 0 : i32
      scf.yield %scan3A_82 : i32
    }
    %scan3A_6 = arith.constant 640 : i32
    %mul3A_7 = arith.constant 624 : i32
    %mul3A_8 = arith.muli %arg1, %mul3A_7 : i32
    %add3A_9 = arith.constant 0 : i32
    %add3A_10 = arith.addi %mul3A_8, %add3A_9 : i32
    "tpu.region"() ({
      %run_scoped3A = tpu.sem_alloc : memref<!tpu.dma_semaphore, #tpu.memory_space<semaphore_mem>>
      %dma_start3A = arith.constant 0 : i32
      %dma_start3A_41 = tpu.memref_slice %arg9[%add3A_10, %dma_start3A] : memref<10000x128xf32, #tpu.memory_space<vmem_shared>> -> memref<80x128xf32, #tpu.memory_space<vmem_shared>>
      %dma_start3A_42 = arith.constant 0 : i32
      %dma_start3A_43 = tpu.memref_slice %arg9[%add3A_10, %dma_start3A_42] : memref<10000x128xf32, #tpu.memory_space<vmem_shared>> -> memref<80x128xf32, #tpu.memory_space<vmem_shared>>
      tpu.enqueue_dma source(%arg8 : memref<80x128xf32, #tpu.memory_space<vmem>>) target(%dma_start3A_43 : memref<80x128xf32, #tpu.memory_space<vmem_shared>>) target_semaphore(%run_scoped3A : memref<!tpu.dma_semaphore, #tpu.memory_space<semaphore_mem>>)
      %dma_wait3A = arith.constant 0 : i32
      %dma_wait3A_44 = tpu.memref_slice %arg9[%add3A_10, %dma_wait3A] : memref<10000x128xf32, #tpu.memory_space<vmem_shared>> -> memref<80x128xf32, #tpu.memory_space<vmem_shared>>
      %dma_wait3A_45 = arith.constant 0 : i32
      %dma_wait3A_46 = tpu.memref_slice %arg9[%add3A_10, %dma_wait3A_45] : memref<10000x128xf32, #tpu.memory_space<vmem_shared>> -> memref<80x128xf32, #tpu.memory_space<vmem_shared>>
      tpu.wait_dma2 semaphore(%run_scoped3A : memref<!tpu.dma_semaphore, #tpu.memory_space<semaphore_mem>>) src(%arg8 : memref<80x128xf32, #tpu.memory_space<vmem>>) dst(%dma_wait3A_46 : memref<80x128xf32, #tpu.memory_space<vmem_shared>>)
      tpu.yield
    }) : () -> ()
    %add3A_11 = arith.constant 80 : i32
    %add3A_12 = arith.addi %mul3A_8, %add3A_11 : i32
    "tpu.region"() ({
      %run_scoped3A = tpu.sem_alloc : memref<!tpu.dma_semaphore, #tpu.memory_space<semaphore_mem>>
      %dma_start3A = arith.constant 0 : i32
      %dma_start3A_41 = tpu.memref_slice %arg9[%add3A_12, %dma_start3A] : memref<10000x128xf32, #tpu.memory_space<vmem_shared>> -> memref<80x128xf32, #tpu.memory_space<vmem_shared>>
      %dma_start3A_42 = arith.constant 0 : i32
      %dma_start3A_43 = tpu.memref_slice %arg9[%add3A_12, %dma_start3A_42] : memref<10000x128xf32, #tpu.memory_space<vmem_shared>> -> memref<80x128xf32, #tpu.memory_space<vmem_shared>>
      tpu.enqueue_dma source(%arg8 : memref<80x128xf32, #tpu.memory_space<vmem>>) target(%dma_start3A_43 : memref<80x128xf32, #tpu.memory_space<vmem_shared>>) target_semaphore(%run_scoped3A : memref<!tpu.dma_semaphore, #tpu.memory_space<semaphore_mem>>)
      %dma_wait3A = arith.constant 0 : i32
      %dma_wait3A_44 = tpu.memref_slice %arg9[%add3A_12, %dma_wait3A] : memref<10000x128xf32, #tpu.memory_space<vmem_shared>> -> memref<80x128xf32, #tpu.memory_space<vmem_shared>>
      %dma_wait3A_45 = arith.constant 0 : i32
      %dma_wait3A_46 = tpu.memref_slice %arg9[%add3A_12, %dma_wait3A_45] : memref<10000x128xf32, #tpu.memory_space<vmem_shared>> -> memref<80x128xf32, #tpu.memory_space<vmem_shared>>
      tpu.wait_dma2 semaphore(%run_scoped3A : memref<!tpu.dma_semaphore, #tpu.memory_space<semaphore_mem>>) src(%arg8 : memref<80x128xf32, #tpu.memory_space<vmem>>) dst(%dma_wait3A_46 : memref<80x128xf32, #tpu.memory_space<vmem_shared>>)
      tpu.yield
    }) : () -> ()
    %add3A_13 = arith.constant 160 : i32
    %add3A_14 = arith.addi %mul3A_8, %add3A_13 : i32
    "tpu.region"() ({
      %run_scoped3A = tpu.sem_alloc : memref<!tpu.dma_semaphore, #tpu.memory_space<semaphore_mem>>
      %dma_start3A = arith.constant 0 : i32
      %dma_start3A_41 = tpu.memref_slice %arg9[%add3A_14, %dma_start3A] : memref<10000x128xf32, #tpu.memory_space<vmem_shared>> -> memref<80x128xf32, #tpu.memory_space<vmem_shared>>
      %dma_start3A_42 = arith.constant 0 : i32
      %dma_start3A_43 = tpu.memref_slice %arg9[%add3A_14, %dma_start3A_42] : memref<10000x128xf32, #tpu.memory_space<vmem_shared>> -> memref<80x128xf32, #tpu.memory_space<vmem_shared>>
      tpu.enqueue_dma source(%arg8 : memref<80x128xf32, #tpu.memory_space<vmem>>) target(%dma_start3A_43 : memref<80x128xf32, #tpu.memory_space<vmem_shared>>) target_semaphore(%run_scoped3A : memref<!tpu.dma_semaphore, #tpu.memory_space<semaphore_mem>>)
      %dma_wait3A = arith.constant 0 : i32
      %dma_wait3A_44 = tpu.memref_slice %arg9[%add3A_14, %dma_wait3A] : memref<10000x128xf32, #tpu.memory_space<vmem_shared>> -> memref<80x128xf32, #tpu.memory_space<vmem_shared>>
      %dma_wait3A_45 = arith.constant 0 : i32
      %dma_wait3A_46 = tpu.memref_slice %arg9[%add3A_14, %dma_wait3A_45] : memref<10000x128xf32, #tpu.memory_space<vmem_shared>> -> memref<80x128xf32, #tpu.memory_space<vmem_shared>>
      tpu.wait_dma2 semaphore(%run_scoped3A : memref<!tpu.dma_semaphore, #tpu.memory_space<semaphore_mem>>) src(%arg8 : memref<80x128xf32, #tpu.memory_space<vmem>>) dst(%dma_wait3A_46 : memref<80x128xf32, #tpu.memory_space<vmem_shared>>)
      tpu.yield
    }) : () -> ()
    %add3A_15 = arith.constant 240 : i32
    %add3A_16 = arith.addi %mul3A_8, %add3A_15 : i32
    "tpu.region"() ({
      %run_scoped3A = tpu.sem_alloc : memref<!tpu.dma_semaphore, #tpu.memory_space<semaphore_mem>>
      %dma_start3A = arith.constant 0 : i32
      %dma_start3A_41 = tpu.memref_slice %arg9[%add3A_16, %dma_start3A] : memref<10000x128xf32, #tpu.memory_space<vmem_shared>> -> memref<80x128xf32, #tpu.memory_space<vmem_shared>>
      %dma_start3A_42 = arith.constant 0 : i32
      %dma_start3A_43 = tpu.memref_slice %arg9[%add3A_16, %dma_start3A_42] : memref<10000x128xf32, #tpu.memory_space<vmem_shared>> -> memref<80x128xf32, #tpu.memory_space<vmem_shared>>
      tpu.enqueue_dma source(%arg8 : memref<80x128xf32, #tpu.memory_space<vmem>>) target(%dma_start3A_43 : memref<80x128xf32, #tpu.memory_space<vmem_shared>>) target_semaphore(%run_scoped3A : memref<!tpu.dma_semaphore, #tpu.memory_space<semaphore_mem>>)
      %dma_wait3A = arith.constant 0 : i32
      %dma_wait3A_44 = tpu.memref_slice %arg9[%add3A_16, %dma_wait3A] : memref<10000x128xf32, #tpu.memory_space<vmem_shared>> -> memref<80x128xf32, #tpu.memory_space<vmem_shared>>
      %dma_wait3A_45 = arith.constant 0 : i32
      %dma_wait3A_46 = tpu.memref_slice %arg9[%add3A_16, %dma_wait3A_45] : memref<10000x128xf32, #tpu.memory_space<vmem_shared>> -> memref<80x128xf32, #tpu.memory_space<vmem_shared>>
      tpu.wait_dma2 semaphore(%run_scoped3A : memref<!tpu.dma_semaphore, #tpu.memory_space<semaphore_mem>>) src(%arg8 : memref<80x128xf32, #tpu.memory_space<vmem>>) dst(%dma_wait3A_46 : memref<80x128xf32, #tpu.memory_space<vmem_shared>>)
      tpu.yield
    }) : () -> ()
    %add3A_17 = arith.constant 320 : i32
    %add3A_18 = arith.addi %mul3A_8, %add3A_17 : i32
    "tpu.region"() ({
      %run_scoped3A = tpu.sem_alloc : memref<!tpu.dma_semaphore, #tpu.memory_space<semaphore_mem>>
      %dma_start3A = arith.constant 0 : i32
      %dma_start3A_41 = tpu.memref_slice %arg9[%add3A_18, %dma_start3A] : memref<10000x128xf32, #tpu.memory_space<vmem_shared>> -> memref<80x128xf32, #tpu.memory_space<vmem_shared>>
      %dma_start3A_42 = arith.constant 0 : i32
      %dma_start3A_43 = tpu.memref_slice %arg9[%add3A_18, %dma_start3A_42] : memref<10000x128xf32, #tpu.memory_space<vmem_shared>> -> memref<80x128xf32, #tpu.memory_space<vmem_shared>>
      tpu.enqueue_dma source(%arg8 : memref<80x128xf32, #tpu.memory_space<vmem>>) target(%dma_start3A_43 : memref<80x128xf32, #tpu.memory_space<vmem_shared>>) target_semaphore(%run_scoped3A : memref<!tpu.dma_semaphore, #tpu.memory_space<semaphore_mem>>)
      %dma_wait3A = arith.constant 0 : i32
      %dma_wait3A_44 = tpu.memref_slice %arg9[%add3A_18, %dma_wait3A] : memref<10000x128xf32, #tpu.memory_space<vmem_shared>> -> memref<80x128xf32, #tpu.memory_space<vmem_shared>>
      %dma_wait3A_45 = arith.constant 0 : i32
      %dma_wait3A_46 = tpu.memref_slice %arg9[%add3A_18, %dma_wait3A_45] : memref<10000x128xf32, #tpu.memory_space<vmem_shared>> -> memref<80x128xf32, #tpu.memory_space<vmem_shared>>
      tpu.wait_dma2 semaphore(%run_scoped3A : memref<!tpu.dma_semaphore, #tpu.memory_space<semaphore_mem>>) src(%arg8 : memref<80x128xf32, #tpu.memory_space<vmem>>) dst(%dma_wait3A_46 : memref<80x128xf32, #tpu.memory_space<vmem_shared>>)
      tpu.yield
    }) : () -> ()
    %add3A_19 = arith.constant 400 : i32
    %add3A_20 = arith.addi %mul3A_8, %add3A_19 : i32
    "tpu.region"() ({
      %run_scoped3A = tpu.sem_alloc : memref<!tpu.dma_semaphore, #tpu.memory_space<semaphore_mem>>
      %dma_start3A = arith.constant 0 : i32
      %dma_start3A_41 = tpu.memref_slice %arg9[%add3A_20, %dma_start3A] : memref<10000x128xf32, #tpu.memory_space<vmem_shared>> -> memref<80x128xf32, #tpu.memory_space<vmem_shared>>
      %dma_start3A_42 = arith.constant 0 : i32
      %dma_start3A_43 = tpu.memref_slice %arg9[%add3A_20, %dma_start3A_42] : memref<10000x128xf32, #tpu.memory_space<vmem_shared>> -> memref<80x128xf32, #tpu.memory_space<vmem_shared>>
      tpu.enqueue_dma source(%arg8 : memref<80x128xf32, #tpu.memory_space<vmem>>) target(%dma_start3A_43 : memref<80x128xf32, #tpu.memory_space<vmem_shared>>) target_semaphore(%run_scoped3A : memref<!tpu.dma_semaphore, #tpu.memory_space<semaphore_mem>>)
      %dma_wait3A = arith.constant 0 : i32
      %dma_wait3A_44 = tpu.memref_slice %arg9[%add3A_20, %dma_wait3A] : memref<10000x128xf32, #tpu.memory_space<vmem_shared>> -> memref<80x128xf32, #tpu.memory_space<vmem_shared>>
      %dma_wait3A_45 = arith.constant 0 : i32
      %dma_wait3A_46 = tpu.memref_slice %arg9[%add3A_20, %dma_wait3A_45] : memref<10000x128xf32, #tpu.memory_space<vmem_shared>> -> memref<80x128xf32, #tpu.memory_space<vmem_shared>>
      tpu.wait_dma2 semaphore(%run_scoped3A : memref<!tpu.dma_semaphore, #tpu.memory_space<semaphore_mem>>) src(%arg8 : memref<80x128xf32, #tpu.memory_space<vmem>>) dst(%dma_wait3A_46 : memref<80x128xf32, #tpu.memory_space<vmem_shared>>)
      tpu.yield
    }) : () -> ()
    %add3A_21 = arith.constant 480 : i32
    %add3A_22 = arith.addi %mul3A_8, %add3A_21 : i32
    "tpu.region"() ({
      %run_scoped3A = tpu.sem_alloc : memref<!tpu.dma_semaphore, #tpu.memory_space<semaphore_mem>>
      %dma_start3A = arith.constant 0 : i32
      %dma_start3A_41 = tpu.memref_slice %arg9[%add3A_22, %dma_start3A] : memref<10000x128xf32, #tpu.memory_space<vmem_shared>> -> memref<80x128xf32, #tpu.memory_space<vmem_shared>>
      %dma_start3A_42 = arith.constant 0 : i32
      %dma_start3A_43 = tpu.memref_slice %arg9[%add3A_22, %dma_start3A_42] : memref<10000x128xf32, #tpu.memory_space<vmem_shared>> -> memref<80x128xf32, #tpu.memory_space<vmem_shared>>
      tpu.enqueue_dma source(%arg8 : memref<80x128xf32, #tpu.memory_space<vmem>>) target(%dma_start3A_43 : memref<80x128xf32, #tpu.memory_space<vmem_shared>>) target_semaphore(%run_scoped3A : memref<!tpu.dma_semaphore, #tpu.memory_space<semaphore_mem>>)
      %dma_wait3A = arith.constant 0 : i32
      %dma_wait3A_44 = tpu.memref_slice %arg9[%add3A_22, %dma_wait3A] : memref<10000x128xf32, #tpu.memory_space<vmem_shared>> -> memref<80x128xf32, #tpu.memory_space<vmem_shared>>
      %dma_wait3A_45 = arith.constant 0 : i32
      %dma_wait3A_46 = tpu.memref_slice %arg9[%add3A_22, %dma_wait3A_45] : memref<10000x128xf32, #tpu.memory_space<vmem_shared>> -> memref<80x128xf32, #tpu.memory_space<vmem_shared>>
      tpu.wait_dma2 semaphore(%run_scoped3A : memref<!tpu.dma_semaphore, #tpu.memory_space<semaphore_mem>>) src(%arg8 : memref<80x128xf32, #tpu.memory_space<vmem>>) dst(%dma_wait3A_46 : memref<80x128xf32, #tpu.memory_space<vmem_shared>>)
      tpu.yield
    }) : () -> ()
    %add3A_23 = arith.constant 624 : i32
    %add3A_24 = arith.addi %mul3A_8, %add3A_23 : i32
    %sub3A = arith.constant 64 : i32
    %sub3A_25 = arith.subi %add3A_24, %sub3A : i32
    "tpu.region"() ({
      %run_scoped3A = tpu.sem_alloc : memref<!tpu.dma_semaphore, #tpu.memory_space<semaphore_mem>>
      %dma_start3A = arith.constant 0 : i32
      %dma_start3A_41 = arith.constant 0 : i32
      %dma_start3A_42 = tpu.memref_slice %arg8[%dma_start3A, %dma_start3A_41] : memref<80x128xf32, #tpu.memory_space<vmem>> -> memref<64x128xf32, #tpu.memory_space<vmem>>
      %dma_start3A_43 = arith.constant 0 : i32
      %dma_start3A_44 = tpu.memref_slice %arg9[%sub3A_25, %dma_start3A_43] : memref<10000x128xf32, #tpu.memory_space<vmem_shared>> -> memref<64x128xf32, #tpu.memory_space<vmem_shared>>
      %dma_start3A_45 = arith.constant 0 : i32
      %dma_start3A_46 = tpu.memref_slice %arg9[%sub3A_25, %dma_start3A_45] : memref<10000x128xf32, #tpu.memory_space<vmem_shared>> -> memref<64x128xf32, #tpu.memory_space<vmem_shared>>
      %dma_start3A_47 = arith.constant 0 : i32
      %dma_start3A_48 = arith.constant 0 : i32
      %dma_start3A_49 = tpu.memref_slice %arg8[%dma_start3A_47, %dma_start3A_48] : memref<80x128xf32, #tpu.memory_space<vmem>> -> memref<64x128xf32, #tpu.memory_space<vmem>>
      tpu.enqueue_dma source(%dma_start3A_49 : memref<64x128xf32, #tpu.memory_space<vmem>>) target(%dma_start3A_46 : memref<64x128xf32, #tpu.memory_space<vmem_shared>>) target_semaphore(%run_scoped3A : memref<!tpu.dma_semaphore, #tpu.memory_space<semaphore_mem>>)
      %dma_wait3A = arith.constant 0 : i32
      %dma_wait3A_50 = arith.constant 0 : i32
      %dma_wait3A_51 = tpu.memref_slice %arg8[%dma_wait3A, %dma_wait3A_50] : memref<80x128xf32, #tpu.memory_space<vmem>> -> memref<64x128xf32, #tpu.memory_space<vmem>>
      %dma_wait3A_52 = arith.constant 0 : i32
      %dma_wait3A_53 = tpu.memref_slice %arg9[%sub3A_25, %dma_wait3A_52] : memref<10000x128xf32, #tpu.memory_space<vmem_shared>> -> memref<64x128xf32, #tpu.memory_space<vmem_shared>>
      %dma_wait3A_54 = arith.constant 0 : i32
      %dma_wait3A_55 = tpu.memref_slice %arg9[%sub3A_25, %dma_wait3A_54] : memref<10000x128xf32, #tpu.memory_space<vmem_shared>> -> memref<64x128xf32, #tpu.memory_space<vmem_shared>>
      %dma_wait3A_56 = arith.constant 0 : i32
      %dma_wait3A_57 = arith.constant 0 : i32
      %dma_wait3A_58 = tpu.memref_slice %arg8[%dma_wait3A_56, %dma_wait3A_57] : memref<80x128xf32, #tpu.memory_space<vmem>> -> memref<64x128xf32, #tpu.memory_space<vmem>>
      tpu.wait_dma2 semaphore(%run_scoped3A : memref<!tpu.dma_semaphore, #tpu.memory_space<semaphore_mem>>) src(%dma_wait3A_58 : memref<64x128xf32, #tpu.memory_space<vmem>>) dst(%dma_wait3A_55 : memref<64x128xf32, #tpu.memory_space<vmem_shared>>)
      tpu.yield
    }) : () -> ()
    %eq3A = arith.constant 15 : i32
    %eq3A_26 = arith.cmpi eq, %arg1, %eq3A : i32
    %convert_element_type3A = arith.extui %eq3A_26 : i1 to i32
    %cond3A = arith.constant 0 : i32
    %cond3A_27 = arith.cmpi ne, %convert_element_type3A, %cond3A : i32
    scf.if %cond3A_27 {
      "tpu.region"() ({
        %run_scoped3A = tpu.sem_alloc : memref<!tpu.dma_semaphore, #tpu.memory_space<semaphore_mem>>
        %dma_start3A = arith.constant 0 : i32
        %dma_start3A_41 = arith.constant 0 : i32
        %dma_start3A_42 = tpu.memref_slice %arg8[%dma_start3A, %dma_start3A_41] : memref<80x128xf32, #tpu.memory_space<vmem>> -> memref<16x128xf32, #tpu.memory_space<vmem>>
        %dma_start3A_43 = arith.constant 9984 : i32
        %dma_start3A_44 = arith.constant 0 : i32
        %dma_start3A_45 = tpu.memref_slice %arg9[%dma_start3A_43, %dma_start3A_44] : memref<10000x128xf32, #tpu.memory_space<vmem_shared>> -> memref<16x128xf32, #tpu.memory_space<vmem_shared>>
        %dma_start3A_46 = arith.constant 9984 : i32
        %dma_start3A_47 = arith.constant 0 : i32
        %dma_start3A_48 = tpu.memref_slice %arg9[%dma_start3A_46, %dma_start3A_47] : memref<10000x128xf32, #tpu.memory_space<vmem_shared>> -> memref<16x128xf32, #tpu.memory_space<vmem_shared>>
        %dma_start3A_49 = arith.constant 0 : i32
        %dma_start3A_50 = arith.constant 0 : i32
        %dma_start3A_51 = tpu.memref_slice %arg8[%dma_start3A_49, %dma_start3A_50] : memref<80x128xf32, #tpu.memory_space<vmem>> -> memref<16x128xf32, #tpu.memory_space<vmem>>
        tpu.enqueue_dma source(%dma_start3A_51 : memref<16x128xf32, #tpu.memory_space<vmem>>) target(%dma_start3A_48 : memref<16x128xf32, #tpu.memory_space<vmem_shared>>) target_semaphore(%run_scoped3A : memref<!tpu.dma_semaphore, #tpu.memory_space<semaphore_mem>>)
        %dma_wait3A = arith.constant 0 : i32
        %dma_wait3A_52 = arith.constant 0 : i32
        %dma_wait3A_53 = tpu.memref_slice %arg8[%dma_wait3A, %dma_wait3A_52] : memref<80x128xf32, #tpu.memory_space<vmem>> -> memref<16x128xf32, #tpu.memory_space<vmem>>
        %dma_wait3A_54 = arith.constant 9984 : i32
        %dma_wait3A_55 = arith.constant 0 : i32
        %dma_wait3A_56 = tpu.memref_slice %arg9[%dma_wait3A_54, %dma_wait3A_55] : memref<10000x128xf32, #tpu.memory_space<vmem_shared>> -> memref<16x128xf32, #tpu.memory_space<vmem_shared>>
        %dma_wait3A_57 = arith.constant 9984 : i32
        %dma_wait3A_58 = arith.constant 0 : i32
        %dma_wait3A_59 = tpu.memref_slice %arg9[%dma_wait3A_57, %dma_wait3A_58] : memref<10000x128xf32, #tpu.memory_space<vmem_shared>> -> memref<16x128xf32, #tpu.memory_space<vmem_shared>>
        %dma_wait3A_60 = arith.constant 0 : i32
        %dma_wait3A_61 = arith.constant 0 : i32
        %dma_wait3A_62 = tpu.memref_slice %arg8[%dma_wait3A_60, %dma_wait3A_61] : memref<80x128xf32, #tpu.memory_space<vmem>> -> memref<16x128xf32, #tpu.memory_space<vmem>>
        tpu.wait_dma2 semaphore(%run_scoped3A : memref<!tpu.dma_semaphore, #tpu.memory_space<semaphore_mem>>) src(%dma_wait3A_62 : memref<16x128xf32, #tpu.memory_space<vmem>>) dst(%dma_wait3A_59 : memref<16x128xf32, #tpu.memory_space<vmem_shared>>)
        tpu.yield
      }) : () -> ()
    } else {
    }
    %barrier3A = arith.constant 0 : index
    tpu.barrier barrier_id(%barrier3A)
    %scan3A_28 = arith.constant 0 : i32
    %scan3A_29 = arith.constant 0 : i32
    %scan3A_30 = arith.constant 125 : i32
    %scan3A_31 = arith.addi %scan3A_29, %scan3A_30 : i32
    %scan3A_32 = arith.constant 1 : i32
    %scan3A_33 = scf.for %scan3A_41 = %scan3A_29 to %scan3A_31 step %scan3A_32 iter_args(%scan3A_42 = %scan3A_28) -> (i32)  : i32 {
      %dma_start3A = arith.constant 0 : i32
      %dma_start3A_43 = tpu.memref_slice %arg6[%scan3A_41, %dma_start3A] : memref<125x80xi32, #tpu.memory_space<vmem>> -> memref<1x80xi32, #tpu.memory_space<vmem>>
      %dma_start3A_44 = tpu.memref_squeeze %dma_start3A_43 : memref<1x80xi32, #tpu.memory_space<vmem>> -> memref<80xi32, #tpu.memory_space<vmem>>
      %dma_start3A_45 = arith.constant 0 : i32
      %dma_start3A_46 = arith.constant 0 : i32
      %dma_start3A_47 = tpu.memref_slice %arg2[%dma_start3A_45, %dma_start3A_46] : memref<10000x128xf32, #tpu.memory_space<hbm>> -> memref<10000x128xf32, #tpu.memory_space<hbm>>
      tpu.enqueue_indirect_dma source(%dma_start3A_47 : memref<10000x128xf32, #tpu.memory_space<hbm>>) target(%arg8 : memref<80x128xf32, #tpu.memory_space<vmem>>) offsets(%dma_start3A_44 : memref<80xi32, #tpu.memory_space<vmem>>) semaphore(%arg10 : memref<!tpu.dma_semaphore, #tpu.memory_space<semaphore_mem>>)
      %dma_wait3A = arith.constant 0 : i32
      %dma_wait3A_48 = tpu.memref_slice %arg6[%scan3A_41, %dma_wait3A] : memref<125x80xi32, #tpu.memory_space<vmem>> -> memref<1x80xi32, #tpu.memory_space<vmem>>
      %dma_wait3A_49 = tpu.memref_squeeze %dma_wait3A_48 : memref<1x80xi32, #tpu.memory_space<vmem>> -> memref<80xi32, #tpu.memory_space<vmem>>
      %dma_wait3A_50 = arith.constant 0 : i32
      %dma_wait3A_51 = arith.constant 0 : i32
      %dma_wait3A_52 = tpu.memref_slice %arg2[%dma_wait3A_50, %dma_wait3A_51] : memref<10000x128xf32, #tpu.memory_space<hbm>> -> memref<10000x128xf32, #tpu.memory_space<hbm>>
      tpu.wait_indirect_dma semaphore(%arg10 : memref<!tpu.dma_semaphore, #tpu.memory_space<semaphore_mem>>) src(%dma_wait3A_52 : memref<10000x128xf32, #tpu.memory_space<hbm>>) dst(%arg8 : memref<80x128xf32, #tpu.memory_space<vmem>>)
      "tpu.region"() ({
        %run_scoped3A = tpu.sem_alloc : memref<!tpu.dma_semaphore, #tpu.memory_space<semaphore_mem>>
        %dma_start3A_54 = arith.constant 0 : i32
        %dma_start3A_55 = tpu.memref_slice %arg7[%scan3A_41, %dma_start3A_54] : memref<125x80xi32, #tpu.memory_space<vmem>> -> memref<1x80xi32, #tpu.memory_space<vmem>>
        %dma_start3A_56 = tpu.memref_squeeze %dma_start3A_55 : memref<1x80xi32, #tpu.memory_space<vmem>> -> memref<80xi32, #tpu.memory_space<vmem>>
        %dma_start3A_57 = arith.constant 0 : i32
        %dma_start3A_58 = arith.constant 0 : i32
        %dma_start3A_59 = tpu.memref_slice %arg9[%dma_start3A_57, %dma_start3A_58] : memref<10000x128xf32, #tpu.memory_space<vmem_shared>> -> memref<10000x128xf32, #tpu.memory_space<vmem_shared>>
        tpu.enqueue_indirect_dma source(%arg8 : memref<80x128xf32, #tpu.memory_space<vmem>>) target(%dma_start3A_59 : memref<10000x128xf32, #tpu.memory_space<vmem_shared>>) offsets(%dma_start3A_56 : memref<80xi32, #tpu.memory_space<vmem>>) semaphore(%run_scoped3A : memref<!tpu.dma_semaphore, #tpu.memory_space<semaphore_mem>>) {add = true}
        %dma_wait3A_60 = arith.constant 0 : i32
        %dma_wait3A_61 = tpu.memref_slice %arg7[%scan3A_41, %dma_wait3A_60] : memref<125x80xi32, #tpu.memory_space<vmem>> -> memref<1x80xi32, #tpu.memory_space<vmem>>
        %dma_wait3A_62 = tpu.memref_squeeze %dma_wait3A_61 : memref<1x80xi32, #tpu.memory_space<vmem>> -> memref<80xi32, #tpu.memory_space<vmem>>
        %dma_wait3A_63 = arith.constant 0 : i32
        %dma_wait3A_64 = arith.constant 0 : i32
        %dma_wait3A_65 = tpu.memref_slice %arg9[%dma_wait3A_63, %dma_wait3A_64] : memref<10000x128xf32, #tpu.memory_space<vmem_shared>> -> memref<10000x128xf32, #tpu.memory_space<vmem_shared>>
        tpu.wait_indirect_dma semaphore(%run_scoped3A : memref<!tpu.dma_semaphore, #tpu.memory_space<semaphore_mem>>) src(%arg8 : memref<80x128xf32, #tpu.memory_space<vmem>>) dst(%dma_wait3A_65 : memref<10000x128xf32, #tpu.memory_space<vmem_shared>>)
        tpu.yield
      }) : () -> ()
      %scan3A_53 = arith.constant 0 : i32
      scf.yield %scan3A_53 : i32
    }
    %scan3A_34 = arith.constant 125 : i32
    %barrier3A_35 = arith.constant 0 : index
    tpu.barrier barrier_id(%barrier3A_35)
    "tpu.region"() ({
      %run_scoped3A = tpu.sem_alloc : memref<!tpu.dma_semaphore, #tpu.memory_space<semaphore_mem>>
      %dma_start3A = arith.constant 0 : i32
      %dma_start3A_41 = tpu.memref_slice %arg5[%arg0, %mul3A_8, %dma_start3A] : memref<2x10000x128xf32, #tpu.memory_space<hbm>> -> memref<1x624x128xf32, #tpu.memory_space<hbm>>
      %dma_start3A_42 = tpu.memref_squeeze %dma_start3A_41 : memref<1x624x128xf32, #tpu.memory_space<hbm>> -> memref<624x128xf32, #tpu.memory_space<hbm>>
      %dma_start3A_43 = arith.constant 0 : i32
      %dma_start3A_44 = tpu.memref_slice %arg9[%mul3A_8, %dma_start3A_43] : memref<10000x128xf32, #tpu.memory_space<vmem_shared>> -> memref<624x128xf32, #tpu.memory_space<vmem_shared>>
      tpu.enqueue_dma source(%dma_start3A_44 : memref<624x128xf32, #tpu.memory_space<vmem_shared>>) target(%dma_start3A_42 : memref<624x128xf32, #tpu.memory_space<hbm>>) target_semaphore(%run_scoped3A : memref<!tpu.dma_semaphore, #tpu.memory_space<semaphore_mem>>)
      %dma_wait3A = arith.constant 0 : i32
      %dma_wait3A_45 = tpu.memref_slice %arg5[%arg0, %mul3A_8, %dma_wait3A] : memref<2x10000x128xf32, #tpu.memory_space<hbm>> -> memref<1x624x128xf32, #tpu.memory_space<hbm>>
      %dma_wait3A_46 = tpu.memref_squeeze %dma_wait3A_45 : memref<1x624x128xf32, #tpu.memory_space<hbm>> -> memref<624x128xf32, #tpu.memory_space<hbm>>
      %dma_wait3A_47 = arith.constant 0 : i32
      %dma_wait3A_48 = tpu.memref_slice %arg9[%mul3A_8, %dma_wait3A_47] : memref<10000x128xf32, #tpu.memory_space<vmem_shared>> -> memref<624x128xf32, #tpu.memory_space<vmem_shared>>
      tpu.wait_dma2 semaphore(%run_scoped3A : memref<!tpu.dma_semaphore, #tpu.memory_space<semaphore_mem>>) src(%dma_wait3A_48 : memref<624x128xf32, #tpu.memory_space<vmem_shared>>) dst(%dma_wait3A_46 : memref<624x128xf32, #tpu.memory_space<hbm>>)
      tpu.yield
    }) : () -> ()
    %eq3A_36 = arith.constant 15 : i32
    %eq3A_37 = arith.cmpi eq, %arg1, %eq3A_36 : i32
    %convert_element_type3A_38 = arith.extui %eq3A_37 : i1 to i32
    %cond3A_39 = arith.constant 0 : i32
    %cond3A_40 = arith.cmpi ne, %convert_element_type3A_38, %cond3A_39 : i32
    scf.if %cond3A_40 {
      "tpu.region"() ({
        %run_scoped3A = tpu.sem_alloc : memref<!tpu.dma_semaphore, #tpu.memory_space<semaphore_mem>>
        %dma_start3A = arith.constant 9984 : i32
        %dma_start3A_41 = arith.constant 0 : i32
        %dma_start3A_42 = tpu.memref_slice %arg5[%arg0, %dma_start3A, %dma_start3A_41] : memref<2x10000x128xf32, #tpu.memory_space<hbm>> -> memref<1x16x128xf32, #tpu.memory_space<hbm>>
        %dma_start3A_43 = tpu.memref_squeeze %dma_start3A_42 : memref<1x16x128xf32, #tpu.memory_space<hbm>> -> memref<16x128xf32, #tpu.memory_space<hbm>>
        %dma_start3A_44 = arith.constant 9984 : i32
        %dma_start3A_45 = arith.constant 0 : i32
        %dma_start3A_46 = tpu.memref_slice %arg9[%dma_start3A_44, %dma_start3A_45] : memref<10000x128xf32, #tpu.memory_space<vmem_shared>> -> memref<16x128xf32, #tpu.memory_space<vmem_shared>>
        tpu.enqueue_dma source(%dma_start3A_46 : memref<16x128xf32, #tpu.memory_space<vmem_shared>>) target(%dma_start3A_43 : memref<16x128xf32, #tpu.memory_space<hbm>>) target_semaphore(%run_scoped3A : memref<!tpu.dma_semaphore, #tpu.memory_space<semaphore_mem>>)
        %dma_wait3A = arith.constant 9984 : i32
        %dma_wait3A_47 = arith.constant 0 : i32
        %dma_wait3A_48 = tpu.memref_slice %arg5[%arg0, %dma_wait3A, %dma_wait3A_47] : memref<2x10000x128xf32, #tpu.memory_space<hbm>> -> memref<1x16x128xf32, #tpu.memory_space<hbm>>
        %dma_wait3A_49 = tpu.memref_squeeze %dma_wait3A_48 : memref<1x16x128xf32, #tpu.memory_space<hbm>> -> memref<16x128xf32, #tpu.memory_space<hbm>>
        %dma_wait3A_50 = arith.constant 9984 : i32
        %dma_wait3A_51 = arith.constant 0 : i32
        %dma_wait3A_52 = tpu.memref_slice %arg9[%dma_wait3A_50, %dma_wait3A_51] : memref<10000x128xf32, #tpu.memory_space<vmem_shared>> -> memref<16x128xf32, #tpu.memory_space<vmem_shared>>
        tpu.wait_dma2 semaphore(%run_scoped3A : memref<!tpu.dma_semaphore, #tpu.memory_space<semaphore_mem>>) src(%dma_wait3A_52 : memref<16x128xf32, #tpu.memory_space<vmem_shared>>) dst(%dma_wait3A_49 : memref<16x128xf32, #tpu.memory_space<hbm>>)
        tpu.yield
      }) : () -> ()
    } else {
    }
    return
  }
}

module attributes {stable_mosaic.version = 14 : i64} {
  func.func @_logsoftmax_body(%arg0: i32, %arg1: memref<1x1000x128xf32, #tpu.memory_space<vmem>>, %arg2: memref<1x1000x128xf32, #tpu.memory_space<vmem>>, %arg3: memref<1x128xf32, #tpu.memory_space<vmem>>, %arg4: memref<1000x40xf32, #tpu.memory_space<vmem>>) attributes {dimension_semantics = [#tpu.dimension_semantics<arbitrary>], iteration_bounds = array<i64: 10>, scalar_prefetch = 0 : i64, scratch_operands = 0 : i64, tpu.core_type = #tpu.core_type<tc>, window_params = [{transform_indices = @transform_0, window_bounds = array<i64: 1, 1000, 128>}, {transform_indices = @transform_1, window_bounds = array<i64: 1, 1000, 128>}, {pipeline_mode = #tpu.pipeline_mode<synchronous>, transform_indices = @transform_2, window_bounds = array<i64: 1, 128>}, {transform_indices = @transform_3, window_bounds = array<i64: 1000, 40>}]} {
    %get3A = arith.constant 0 : index
    %get3A_0 = arith.constant 0 : index
    %get3A_1 = arith.constant 0 : index
    %get3A_2 = vector.load %arg1[%get3A, %get3A_0, %get3A_1] : memref<1x1000x128xf32, #tpu.memory_space<vmem>>, vector<1x1000x128xf32>
    %get3A_3 = vector.shape_cast %get3A_2 : vector<1x1000x128xf32> to vector<1000x128xf32>
    %get3A_4 = arith.constant 0 : index
    %get3A_5 = arith.constant 0 : index
    %get3A_6 = arith.constant 0 : index
    %get3A_7 = vector.load %arg2[%get3A_4, %get3A_5, %get3A_6] : memref<1x1000x128xf32, #tpu.memory_space<vmem>>, vector<1x1000x128xf32>
    %get3A_8 = vector.shape_cast %get3A_7 : vector<1x1000x128xf32> to vector<1000x128xf32>
    %add3A = arith.addf %get3A_3, %get3A_8 : vector<1000x128xf32>
    %get3A_9 = arith.constant 0 : index
    %get3A_10 = arith.constant 0 : index
    %get3A_11 = vector.load %arg3[%get3A_9, %get3A_10] : memref<1x128xf32, #tpu.memory_space<vmem>>, vector<1x128xf32>
    %add3A_12 = vector.broadcast %get3A_11 : vector<1x128xf32> to vector<1000x128xf32>
    %add3A_13 = arith.addf %add3A, %add3A_12 : vector<1000x128xf32>
    %iota3A = tpu.iota {dimensions = array<i32: 1>} : vector<1000x128xi32>
    %lt3A = arith.constant 40 : i32
    %lt3A_14 = vector.broadcast %lt3A : i32 to vector<1000x128xi32>
    %lt3A_15 = arith.cmpi slt, %iota3A, %lt3A_14 : vector<1000x128xi32>
    %jit3A = arith.constant -1.000000e+30 : f32
    %broadcast_in_dim3A = vector.broadcast %jit3A : f32 to vector<1000x128xf32>
    %select_n3A = arith.select %lt3A_15, %add3A_13, %broadcast_in_dim3A : vector<1000x128xi1>, vector<1000x128xf32>
    %reduce_max3A = arith.constant dense<0xFF800000> : vector<1000xf32>
    %reduce_max3A_16 = vector.multi_reduction <maximumf>, %select_n3A, %reduce_max3A [1] : vector<1000x128xf32> to vector<1000xf32>
    %broadcast_in_dim3A_17 = vector.shape_cast %reduce_max3A_16 : vector<1000xf32> to vector<1000x1xf32>
    %sub3A = vector.broadcast %broadcast_in_dim3A_17 : vector<1000x1xf32> to vector<1000x128xf32>
    %sub3A_18 = arith.subf %select_n3A, %sub3A : vector<1000x128xf32>
    %exp3A = math.exp %sub3A_18 : vector<1000x128xf32>
    %reduce_sum3A = arith.constant dense<0.000000e+00> : vector<1000xf32>
    %reduce_sum3A_19 = vector.multi_reduction <add>, %exp3A, %reduce_sum3A [1] : vector<1000x128xf32> to vector<1000xf32>
    %broadcast_in_dim3A_20 = vector.shape_cast %reduce_sum3A_19 : vector<1000xf32> to vector<1000x1xf32>
    %sub3A_21 = vector.broadcast %broadcast_in_dim3A_17 : vector<1000x1xf32> to vector<1000x128xf32>
    %sub3A_22 = arith.subf %select_n3A, %sub3A_21 : vector<1000x128xf32>
    %log3A = math.log %broadcast_in_dim3A_20 : vector<1000x1xf32>
    %sub3A_23 = vector.broadcast %log3A : vector<1000x1xf32> to vector<1000x128xf32>
    %sub3A_24 = arith.subf %sub3A_22, %sub3A_23 : vector<1000x128xf32>
    %slice3A = vector.extract_strided_slice %sub3A_24 {offsets = [0, 0], sizes = [1000, 40], strides = [1, 1]} : vector<1000x128xf32> to vector<1000x40xf32>
    %swap3A = arith.constant 0 : index
    %swap3A_25 = arith.constant 0 : index
    %swap3A_26 = vector.load %arg4[%swap3A, %swap3A_25] : memref<1000x40xf32, #tpu.memory_space<vmem>>, vector<1000x40xf32>
    tpu.vector_store %arg4[%swap3A, %swap3A_25], %slice3A {strides = array<i32>} : memref<1000x40xf32, #tpu.memory_space<vmem>>, vector<1000x40xf32>,
    return
  }
  func.func @transform_0(%arg0: i32) -> (i32, i32, i32) {
    %c0_i32 = arith.constant 0 : i32
    %c0_i32_0 = arith.constant 0 : i32
    %c0_i32_1 = arith.constant 0 : i32
    return %c0_i32, %arg0, %c0_i32_0 : i32, i32, i32
  }
  func.func @transform_1(%arg0: i32) -> (i32, i32, i32) {
    %c1_i32 = arith.constant 1 : i32
    %c0_i32 = arith.constant 0 : i32
    %c0_i32_0 = arith.constant 0 : i32
    return %c1_i32, %arg0, %c0_i32 : i32, i32, i32
  }
  func.func @transform_2(%arg0: i32) -> (i32, i32) {
    %c0_i32 = arith.constant 0 : i32
    %c0_i32_0 = arith.constant 0 : i32
    %c0_i32_1 = arith.constant 0 : i32
    return %c0_i32, %c0_i32_0 : i32, i32
  }
  func.func @transform_3(%arg0: i32) -> (i32, i32) {
    %c0_i32 = arith.constant 0 : i32
    %c0_i32_0 = arith.constant 0 : i32
    return %arg0, %c0_i32 : i32, i32
  }
}

module attributes {stable_mosaic.version = 14 : i64} {
  func.func @_mlp_body(%arg0: i32, %arg1: memref<1x1000x128xf32, #tpu.memory_space<vmem>>, %arg2: memref<1x1000x128xf32, #tpu.memory_space<vmem>>, %arg3: memref<128x128xf32, #tpu.memory_space<vmem>>, %arg4: memref<1x128xf32, #tpu.memory_space<vmem>>, %arg5: memref<128x128xf32, #tpu.memory_space<vmem>>, %arg6: memref<1000x128xf32, #tpu.memory_space<vmem>>) attributes {dimension_semantics = [#tpu.dimension_semantics<arbitrary>], iteration_bounds = array<i64: 10>, scalar_prefetch = 0 : i64, scratch_operands = 0 : i64, tpu.core_type = #tpu.core_type<tc>, window_params = [{transform_indices = @transform_0, window_bounds = array<i64: 1, 1000, 128>}, {transform_indices = @transform_1, window_bounds = array<i64: 1, 1000, 128>}, {pipeline_mode = #tpu.pipeline_mode<synchronous>, transform_indices = @transform_2, window_bounds = array<i64: 128, 128>}, {pipeline_mode = #tpu.pipeline_mode<synchronous>, transform_indices = @transform_3, window_bounds = array<i64: 1, 128>}, {pipeline_mode = #tpu.pipeline_mode<synchronous>, transform_indices = @transform_4, window_bounds = array<i64: 128, 128>}, {transform_indices = @transform_5, window_bounds = array<i64: 1000, 128>}]} {
    %get3A = arith.constant 0 : index
    %get3A_0 = arith.constant 0 : index
    %get3A_1 = arith.constant 0 : index
    %get3A_2 = vector.load %arg1[%get3A, %get3A_0, %get3A_1] : memref<1x1000x128xf32, #tpu.memory_space<vmem>>, vector<1x1000x128xf32>
    %get3A_3 = vector.shape_cast %get3A_2 : vector<1x1000x128xf32> to vector<1000x128xf32>
    %get3A_4 = arith.constant 0 : index
    %get3A_5 = arith.constant 0 : index
    %get3A_6 = arith.constant 0 : index
    %get3A_7 = vector.load %arg2[%get3A_4, %get3A_5, %get3A_6] : memref<1x1000x128xf32, #tpu.memory_space<vmem>>, vector<1x1000x128xf32>
    %get3A_8 = vector.shape_cast %get3A_7 : vector<1x1000x128xf32> to vector<1000x128xf32>
    %add3A = arith.addf %get3A_3, %get3A_8 : vector<1000x128xf32>
    %get3A_9 = arith.constant 0 : index
    %get3A_10 = arith.constant 0 : index
    %get3A_11 = vector.load %arg3[%get3A_9, %get3A_10] : memref<128x128xf32, #tpu.memory_space<vmem>>, vector<128x128xf32>
    %dot_general3A = arith.constant dense<0.000000e+00> : vector<1000x128xf32>
    %dot_general3A_12 = tpu.matmul %add3A, %get3A_11, %dot_general3A {dimension_numbers = #tpu.dot_dimension_numbers<[1], [0], [0], [1], [0, 0, 1, 1], [], []>, transpose_lhs_hint = false} : vector<1000x128xf32>, vector<128x128xf32>, vector<1000x128xf32> -> vector<1000x128xf32>
    %get3A_13 = arith.constant 0 : index
    %get3A_14 = arith.constant 0 : index
    %get3A_15 = vector.load %arg4[%get3A_13, %get3A_14] : memref<1x128xf32, #tpu.memory_space<vmem>>, vector<1x128xf32>
    %add3A_16 = vector.broadcast %get3A_15 : vector<1x128xf32> to vector<1000x128xf32>
    %add3A_17 = arith.addf %dot_general3A_12, %add3A_16 : vector<1000x128xf32>
    %max3A = arith.constant 0.000000e+00 : f32
    %max3A_18 = vector.broadcast %max3A : f32 to vector<1000x128xf32>
    %max3A_19 = arith.maximumf %add3A_17, %max3A_18 : vector<1000x128xf32>
    %get3A_20 = arith.constant 0 : index
    %get3A_21 = arith.constant 0 : index
    %get3A_22 = vector.load %arg5[%get3A_20, %get3A_21] : memref<128x128xf32, #tpu.memory_space<vmem>>, vector<128x128xf32>
    %dot_general3A_23 = arith.constant dense<0.000000e+00> : vector<1000x128xf32>
    %dot_general3A_24 = tpu.matmul %max3A_19, %get3A_22, %dot_general3A_23 {dimension_numbers = #tpu.dot_dimension_numbers<[1], [0], [0], [1], [0, 0, 1, 1], [], []>, transpose_lhs_hint = false} : vector<1000x128xf32>, vector<128x128xf32>, vector<1000x128xf32> -> vector<1000x128xf32>
    %swap3A = arith.constant 0 : index
    %swap3A_25 = arith.constant 0 : index
    %swap3A_26 = vector.load %arg6[%swap3A, %swap3A_25] : memref<1000x128xf32, #tpu.memory_space<vmem>>, vector<1000x128xf32>
    tpu.vector_store %arg6[%swap3A, %swap3A_25], %dot_general3A_24 {strides = array<i32>} : memref<1000x128xf32, #tpu.memory_space<vmem>>, vector<1000x128xf32>,
    return
  }
  func.func @transform_0(%arg0: i32) -> (i32, i32, i32) {
    %c0_i32 = arith.constant 0 : i32
    %c0_i32_0 = arith.constant 0 : i32
    %c0_i32_1 = arith.constant 0 : i32
    return %c0_i32, %arg0, %c0_i32_0 : i32, i32, i32
  }
  func.func @transform_1(%arg0: i32) -> (i32, i32, i32) {
    %c1_i32 = arith.constant 1 : i32
    %c0_i32 = arith.constant 0 : i32
    %c0_i32_0 = arith.constant 0 : i32
    return %c1_i32, %arg0, %c0_i32 : i32, i32, i32
  }
  func.func @transform_2(%arg0: i32) -> (i32, i32) {
    %c0_i32 = arith.constant 0 : i32
    %c0_i32_0 = arith.constant 0 : i32
    %c0_i32_1 = arith.constant 0 : i32
    return %c0_i32, %c0_i32_0 : i32, i32
  }
  func.func @transform_3(%arg0: i32) -> (i32, i32) {
    %c0_i32 = arith.constant 0 : i32
    %c0_i32_0 = arith.constant 0 : i32
    %c0_i32_1 = arith.constant 0 : i32
    return %c0_i32, %c0_i32_0 : i32, i32
  }
  func.func @transform_4(%arg0: i32) -> (i32, i32) {
    %c0_i32 = arith.constant 0 : i32
    %c0_i32_0 = arith.constant 0 : i32
    %c0_i32_1 = arith.constant 0 : i32
    return %c0_i32, %c0_i32_0 : i32, i32
  }
  func.func @transform_5(%arg0: i32) -> (i32, i32) {
    %c0_i32 = arith.constant 0 : i32
    %c0_i32_0 = arith.constant 0 : i32
    return %arg0, %c0_i32 : i32, i32
  }
}

</mosaic_0001>

<sc_bundles>
// kernel: kernel.6.cloned.1.call-start
scs
__scs_entry_jumppad:
0x0: {  	(pc) =	sbr.rel $0x88, $3  }
0x1: {  	(tag) =	ssettag $0x0;
	lr =	simm.s32 $0x1  }
0x2: {  	[smem:$0x3F9B] =	sst lr;
	_ =	strace $0xD0000000  }
0x3: {  	_ = 	snop  }
0x4: {  	_ = 	snop  }
0x5: {  	_ = 	snop  }
0x6: {  	_ = 	snop  }
0x7: {  	_ = 	snop  }
__scs_overlays_trampoline_lowered:
0x8: {  	[smem:$0x3FAA] =	sst s0  }
0x9: {  	[smem:$0x3FAB] =	sst s1  }
0xa: {  	[smem:$0x3FAC] =	sst s2  }
0xb: {  	[smem:$0x3FAD] =	sst s3  }
0xc: {  	[smem:$0x3FAE] =	sst s4  }
0xd: {  	[smem:$0x3FAF] =	sst s5  }
0xe: {  	[smem:$0x3FB0] =	sst s6  }
0xf: {  	[smem:$0x3FB1] =	sst s7  }
0x10: {  	[smem:$0x3FB2] =	sst s8  }
0x11: {  	[smem:$0x3FB3] =	sst s9;
	s0 =	simm.s32 @!p0 $0x0  }
0x12: {  	s1 =	sld [smem:$0x3F99];
	s0 =	simm.s32 @p0 $0x1  }
0x13: {  	[smem:$0x3FB4] =	sst s0;
	s0 =	simm.s32 @!p1 $0x0  }
0x14: {  	s2 =	sld [smem:$0x3F98];
	s0 =	simm.s32 @p1 $0x1  }
0x15: {  	[smem:$0x3FB5] =	sst s0;
	s0 =	simm.s32 @!p2 $0x0  }
0x16: {  	s3 =	sld [smem:$0x3FDB];
	s0 =	simm.s32 @p2 $0x1  }
0x17: {  	s4 =	simm.s32 $0x1BF5;
	[smem:$0x3FB7] =	sst s0  }
0x18: {  	s0 =	sld [smem:$0x3F9A];
	_ =	swait.ge [sflag:s4], $0x0  }
0x19: {  	s7 =	sld [smem:$0x3F9B]  }
0x1a: {  	s8 =	sadd.s32 $0xFFFFE003, lr  }
0x1b: {  	s9 =	sadd.s32 $0xFFFFFEF7, lr;
	s5 =	simm.s32 $0xFFFFFFFF;
	p2 =	slt.u32 s8, $0xFFFFF086  }
0x1c: {  	p1 =	slt.u32 s9, $0xF7A;
	s5 =	simm.s32 @!p2 $0x0  }
0x1d: {  	s5 =	simm.s32 @p1 $0x1;
	p0 =	seq.s32 s7, s2  }
0x1e: {  	s7 =	smul.u32 @!p0 $0xF7A, s2;
	p2 =	seq.s32 @!p0 s5, $0x0  }
0x1f: {  	s9 =	smul.u32 $0xF7A, s1;
	s8 =	simm.s32 @!p0 $0x1BF5;
	p2 =	por !p2, p0  }
0x20: {  	[sflag:s8] =	ssyncset.s32 @!p0 $0xFFFFF086;
	s6 =	sadd.s32 @!p0 s3, s7;
	s7 =	simm.s32 @!p0 $0x108  }
0x21: {  	s3 =	sadd.s32 s3, s9;
	s6 =	sadd.s32 @!p0 $0x88, s6;
	s7 =	simm.s32 @p2 $0x1082  }
0x22: {  	[simem:s7], [sflag:s8] =	dma.local @!p0 [hbm:s6], $0xF7A  }
0x23: {  	s9 =	sor.u32 $0xD0000000, s2;
	s6 =	simm.s32 $0x108;
	_ =	swait.ge @!p0 [sflag:s8], $0x0  }
0x24: {  	s3 =	sadd.s32 $0x88, s3;
	s6 =	simm.s32 @!p1 $0x1082;
	[sflag:s4] =	ssyncset.s32 $0xFFFFF086  }
0x25: {  	[simem:s6], [sflag:s4] =	dma.local [hbm:s3], $0xF7A  }
0x26: {  	[smem:$0x3F9B] =	sst s1;
	(tag) =	ssettag s2;
	_ =	strace s9  }
0x27: {  	s1 =	sld [smem:$0x3FAB]  }
0x28: {  	s2 =	sld [smem:$0x3FAC]  }
0x29: {  	s4 =	sld [smem:$0x3FAE]  }
0x2a: {  	p0 =	seq.s32 s5, $0x0;
	s5 =	sld [smem:$0x3FAF]  }
0x2b: {  	s6 =	sld [smem:$0x3FB0]  }
0x2c: {  	s7 =	sld [smem:$0x3FB1]  }
0x2d: {  	s3 =	simm.s32 $0x108;
	s8 =	sld [smem:$0x3FB2]  }
0x2e: {  	s3 =	simm.s32 @!p0 $0x1082;
	s9 =	sld [smem:$0x3FB3]  }
0x2f: {  	lr =	sadd.s32 s0, s3;
	s0 =	sld [smem:$0x3FAA]  }
0x30: {  	s3 =	sld [smem:$0x3FAD]  }
0x31: {  	[smem:$0x3FB6] =	sst s10  }
0x32: {  	s10 =	sld [smem:$0x3FB4];
	_ =	sdelay $0x3  }
0x33: {  	p0 =	seq.s32 s10, $0x1;
	s10 =	sld [smem:$0x3FB6];
	_ =	sdelay $0x3  }
0x34: {  	[smem:$0x3FB6] =	sst s10  }
0x35: {  	s10 =	sld [smem:$0x3FB5];
	_ =	sdelay $0x3  }
0x36: {  	p1 =	seq.s32 s10, $0x1;
	s10 =	sld [smem:$0x3FB6];
	_ =	sdelay $0x3  }
0x37: {  	[smem:$0x3FB6] =	sst s10  }
0x38: {  	s10 =	sld [smem:$0x3FB7]  }
0x39: {  	_ = 	snop;
	(pc) =	sbr.ind lr, $3  }
0x3a: {  	_ = 	snop  }
0x3b: {  	_ = 	snop  }
0x3c: {  	p2 =	seq.s32 s10, $0x1;
	s10 =	sld [smem:$0x3FB6]  }
0x3d: {  	_ =	shalt  }
0x3e: {  	_ =	shalt  }
0x3f: {  	_ =	shalt  }
0x40: {  	_ =	shalt  }
0x41: {  	_ =	shalt  }
0x42: {  	_ =	shalt  }
0x43: {  	_ =	shalt  }
0x44: {  	_ =	shalt  }
0x45: {  	_ =	shalt  }
0x46: {  	_ =	shalt  }
0x47: {  	_ =	shalt  }
0x48: {  	_ =	shalt  }
0x49: {  	_ =	shalt  }
0x4a: {  	_ =	shalt  }
0x4b: {  	_ =	shalt  }
0x4c: {  	_ =	shalt  }
0x4d: {  	_ =	shalt  }
0x4e: {  	_ =	shalt  }
0x4f: {  	_ =	shalt  }
0x50: {  	_ =	shalt  }
0x51: {  	_ =	shalt  }
0x52: {  	_ =	shalt  }
0x53: {  	_ =	shalt  }
0x54: {  	_ =	shalt  }
0x55: {  	_ =	shalt  }
0x56: {  	_ =	shalt  }
0x57: {  	_ =	shalt  }
0x58: {  	_ =	shalt  }
0x59: {  	_ =	shalt  }
0x5a: {  	_ =	shalt  }
0x5b: {  	_ =	shalt  }
0x5c: {  	_ =	shalt  }
0x5d: {  	_ =	shalt  }
0x5e: {  	_ =	shalt  }
0x5f: {  	_ =	shalt  }
0x60: {  	_ =	shalt  }
0x61: {  	_ =	shalt  }
0x62: {  	_ =	shalt  }
0x63: {  	_ =	shalt  }
0x64: {  	_ =	shalt  }
0x65: {  	_ =	shalt  }
0x66: {  	_ =	shalt  }
0x67: {  	_ =	shalt  }
0x68: {  	_ =	shalt  }
0x69: {  	_ =	shalt  }
0x6a: {  	_ =	shalt  }
0x6b: {  	_ =	shalt  }
0x6c: {  	_ =	shalt  }
0x6d: {  	_ =	shalt  }
0x6e: {  	_ =	shalt  }
0x6f: {  	_ =	shalt  }
0x70: {  	_ =	shalt  }
0x71: {  	_ =	shalt  }
0x72: {  	_ =	shalt  }
0x73: {  	_ =	shalt  }
0x74: {  	_ =	shalt  }
0x75: {  	_ =	shalt  }
0x76: {  	_ =	shalt  }
0x77: {  	_ =	shalt  }
0x78: {  	_ =	shalt  }
0x79: {  	_ =	shalt  }
0x7a: {  	_ =	shalt  }
0x7b: {  	_ =	shalt  }
0x7c: {  	_ =	shalt  }
0x7d: {  	_ =	shalt  }
0x7e: {  	_ =	shalt  }
0x7f: {  	_ =	shalt  }
0x80: {  	_ =	shalt  }
0x81: {  	_ =	shalt  }
0x82: {  	_ =	shalt  }
0x83: {  	_ =	shalt  }
0x84: {  	_ =	shalt  }
0x85: {  	_ =	shalt  }
0x86: {  	_ =	shalt  }
0x87: {  	_ =	shalt  }
.Lfunc_end0:
.L_simem_size_0:
called_computation_lowered:
.L_overlay_start_0:
0x88: {  	s2 =	sld [smem:$0x3FD9]  }
0x89: {  	s3 =	sld [smem:$0x3FFE];
	_ =	sdelay $0x1  }
0x8a: {  	s1 =	srdreg.scid  }
0x8b: {  	s0 =	sand.u32 $0x1, s1  }
0x8c: {  	s17 =	sshll.u32 s0, $0xA;
	s2 =	sadd.s32 s3, s2  }
0x8d: {  	s2 =	sadd.s32 s2, s17  }
0x8e: {  	[smem:$0x3FC2] =	sst s2  }
0x8f: {  	_ = 	snop  }
0x90: {  	s2 =	sld [smem:$0x3FC9];
	(tm) =	ssettm $0x1  }
0x91: {  	s18 =	sld [smem:$0x3FFB];
	_ =	sdelay $0x3  }
0x92: {  	_ =	strace s18  }
0x93: {  	s3 =	sld [smem:$0x3FFC];
	_ =	sdelay $0x3  }
0x94: {  	_ =	strace s3  }
0x95: {  	s3 =	sld [smem:$0x3FFD];
	_ =	sdelay $0x3  }
0x96: {  	_ =	strace s3  }
0x97: {  	_ =	strace $0x8FFFFFFF  }
0x98: {  	s19 =	sld [smem:$0x3FDB];
	_ =	sdelay $0x1  }
0x99: {  	s4 =	simm.s32 $_scs_section_size  }
0x9a: {  	s5 =	simm.s32 $_size__tile_overlayer_lowered;
	s6 =	simm.s32 $_tile_overlayer_lowered  }
0x9b: {  	s22 =	simm.s32 $0x1BFF;
	s21 =	sshll.u32 s6, $0x1;
	s3 =	sadd.s32 s4, s19  }
0x9c: {  	s7 =	simm.s32 $0x0;
	s20 =	sshll.u32 s5, $0x1;
	s5 =	sadd.s32 s21, s3  }
0x9d: {  	[timem:s7], [sflag:s22] =	dma.local [hbm:s5], s20  }
0x9e: {  	_ =	swait.ge [sflag:s22], s20  }
0x9f: {  	s4 =	ssub.s32 $0x0, s20;
	[sflag:s22] =	ssyncset.done $0x0  }
0xa0: {  	[sflag:s22] =	ssyncadd.s32 s4;
	_ =	sdelay $0x1  }
0xa1: {  	s23 =	simm.s32 $0x1B8B  }
0xa2: {  	_ =	swait.ge [sflag:s23], $0x1  }
0xa3: {  	[sflag:s23] =	ssyncset.done $0x0  }
0xa4: {  	s25 =	simm.s32 $0x1B8E;
	s24 =	sld [smem:$0x3FFE];
	[sflag:s23] =	ssyncadd.s32 $0xFFFFFFFF  }
0xa5: {  	s26 =	simm.s32 $execute0_lowered;
	[smem:$0x3FD2] =	sst s25  }
0xa6: {  	s5 =	sshll.u32 s26, $0x1;
	_ =	strace $0x80000046;
	[dreg:$0x1] =	wrdreg $0xFFFFFFFF  }
0xa7: {  	s28 =	simm.s32 $_size_execute0_lowered;
	s3 =	sadd.s32 s3, s5;
	[dreg:$0x0] =	wrdreg $0x0  }
0xa8: {  	s5 =	sshll.u32 s28, $0x1;
	[dreg:$0x2] =	wrdreg s3  }
0xa9: {  	[dreg:$0x3] =	wrdreg s5  }
0xaa: {  	[dreg:$0x4] =	wrdreg $0xC0  }
0xab: {  	_ =	task [dreg:s7], $0x5FFFF  }
0xac: {  	[dreg:$0x1] =	wrdreg $0xFFFFFFFF  }
0xad: {  	[dreg:$0x0] =	wrdreg $0x60  }
0xae: {  	[dreg:$0x2] =	wrdreg s2  }
0xaf: {  	[dreg:$0x3] =	wrdreg s24  }
0xb0: {  	[dreg:$0x4] =	wrdreg $0xA8000  }
0xb1: {  	[dreg:$0x5] =	wrdreg $0x9  }
0xb2: {  	_ =	task.clear_ibuf [dreg:s7], $0x6FFFF;
	_ =	strace $0x90000046  }
0xb3: {  	s29 =	simm.s32 $0x9;
	_ =	strace $0x80000048  }
0xb4: {  	_ =	swait.ge [sflag:s29], $0x1  }
0xb5: {  	[sflag:s29] =	ssyncadd.s32 $0xFFFFFFFF  }
0xb6: {  	_ =	strace $0x90000048  }
0xb7: {  	_ =	sfence  }
0xb8: {  	s30 =	sld [smem:$0x0];
	_ =	sdelay $0x2  }
0xb9: {  	s31 =	sshll.u32 s1, $0xD;
	s1 =	sshrl.u32 s1, $0x2  }
0xba: {  	s3 =	sand.u32 $0x4000, s31;
	s1 =	sadd.s32 s1, s30  }
0xbb: {  	s0 =	sor.u32 s3, s0;
	s1 =	sshll.u32 s1, $0x11  }
0xbc: {  	s0 =	sor.u32 s1, s0  }
0xbd: {  	s0 =	sadd.s32 $0x8F2B, s0  }
0xbe: {  	[sflag:s0] =	ssyncadd.remote.s32 $0x1  }
0xbf: {  	_ =	sfence.sel $0xFFFF  }
0xc0: {  	[dreg:$0x0] =	wrdreg $0xFFFFFFFF;
	(pc) =	sbr.abs _section_cstart, $3  }
0xc1: {  	[dreg:$0x1] =	wrdreg $0xFFFFFFFF  }
0xc2: {  	_ =	task.clear_ibuf [dreg:s7], $0x2FFFF;
	_ =	strace $0x9FFFFFFF  }
0xc3: {  	(tm) =	ssettm $0x7FFFFFFF  }
tec
execute0_lowered:
.L_overlay_start_1:
0x0: {  	(tag) =	ssettag $0x1  }
0x1: {  	s1 =	rddreg [dreg:$0x0]  }
0x2: {  	s5 =	rddreg [dreg:$0x1]  }
0x3: {  	s3 =	rddreg [dreg:$0x2]  }
0x4: {  	s0 =	rddreg [dreg:$0x3];
	s6 =	srdreg.scid  }
0x5: {  	s4 =	simm.s32 $0x0;
	s2 =	stileid.u32;
	s20 =	simm.s32 $0x4000  }
0x6: {  	s21 =	simm.s32 $0x8000;
	s22 =	simm.s32 $0x50;
	s23 =	simm.s32 $0x1  }
0x7: {  	s24 =	simm.s32 $0x0;
	s7 =	sand.u32 $0x1, s6;
	[smem:$0x7FF] =	sst s4  }
0x8: {  	s8 =	sshll.u32 s2, $0xB;
	s9 =	smul.u32 $0x4E000, s2;
	s17 =	sadd.s32 $0x20E00, s5  }
0x9: {  	s14 =	smul.u32 $0x13800, s2;
	p0 =	sne.s32 s2, $0xF;
	s6 =	sshll.u32 s7, $0xF  }
0xa: {  	s29 =	ssub.s32 $0x2, s7;
	_ =	strace $0x80000047;
	s15 =	smul.u32 $0x138800, s7  }
0xb: {  	s6 =	sor.u32 s8, s6;
	s30 =	sshrl.u32 s29, $0x1;
	s31 =	sshrl.u32 s9, $0x2  }
0xc: {  	s10 =	sadd.s32 s6, s5;
	s18 =	ssub.s32 s29, s30;
	s6 =	sadd.s32 s31, s3  }
0xd: {  	s16 =	sadd.s32 s14, s15;
	s19 =	sshrl.u32 s15, $0x3;
	s15 =	sadd.s32 $0x138000, s3  }
0xe: {  	s5 =	sadd.s32 $0xE00, s10;
	s7 =	sadd.s32 $0x10E00, s10;
	s8 =	sadd.s32 $0x2800, s6  }
0xf: {  	s9 =	sadd.s32 $0x5000, s6;
	s10 =	sadd.s32 $0x7800, s6;
	s11 =	sadd.s32 $0xA000, s6  }
0x10: {  	s12 =	sadd.s32 $0xC800, s6;
	s13 =	sadd.s32 $0xF000, s6;
	s16 =	sshrl.u32 s16, $0x3  }
0x11: {  	s14 =	sadd.s32 $0x11800, s6;
	s16 =	sadd.s32 s17, s16;
	s17 =	sadd.s32 s17, s19  }
0x12: {  	v0 =	vimm.f32 $0.0e+00;
	s18 =	smax.u32 s18, $0x1;
	s19 =	simm.s32 $0x2;
	s17 =	sadd.s32 $0x27000, s17  }
.LBB2_1:
0x13: {  	[tilespmem:s4], [sflag:$0x2] =	stream.linear.gather [hbm4b:s5+s4], $0x3E80, $0x38;
	[tilespmem:$0x1E080] =	vst v63  }
0x14: {  	_ =	swait.ge [sflag:s19], $0x3E80  }
0x15: {  	[sflag:s19] =	ssyncset.done $0x0  }
0x16: {  	[sflag:s19] =	ssyncadd.s32 $0xFFFFC180  }
0x17: {  	[tilespmem:s20], [sflag:$0x2] =	stream.linear.gather [hbm4b:s7+s4], $0x3E80, $0x38;
	[tilespmem:$0x1E080] =	vst v63  }
0x18: {  	s25 =	sand.u32 $0xFE00, s4;
	s26 =	sand.u32 $0x70, s4;
	_ =	swait.ge [sflag:s19], $0x3E80  }
0x19: {  	s28 =	sshrl.u32 s25, $0x2;
	s25 =	simm.s32 $0x40;
	[sflag:s19] =	ssyncset.done $0x0  }
0x1a: {  	s28 =	sor.u32 s26, s28;
	s26 =	simm.s32 $0x0;
	[sflag:s19] =	ssyncadd.s32 $0xFFFFC180  }
.LBB2_2:
0x1b: {  	p1 =	sne.s32 s25, $0x9FC0  }
0x1c: {  	[tilespmem:s28+$0x8000] =	vst v0;
	s26 =	sadd.s32 $0x10, s26;
	s28 =	smov.u32 s25;
	s25 =	sadd.s32 $0x40, s25  }
.Ltmp0:
0x1d: {  	(pc) =	sbr.rel @p1 .LBB2_2-.Ltmp0, $4  }
0x1e: {  	_ = 	snop  }
0x1f: {  	s28 =	sand.u32 $0xFE00, s28  }
0x20: {  	s29 =	sand.u32 $0x70, s26;
	s28 =	sshrl.u32 s28, $0x2  }
0x21: {  	s28 =	sor.u32 s29, s28  }
0x22: {  	[tilespmem:s28+$0x8000] =	vst v0  }
0x23: {  	[spmem:s6] =	stream.linear.scatter [tilespmem:s21], [sflag:$0x2], $0x2800, $0x38;
	[tilespmem:$0x1E080] =	vst v63  }
0x24: {  	_ =	swait.ge [sflag:s19], $0x2800  }
0x25: {  	[sflag:s19] =	ssyncset.done $0x0  }
0x26: {  	[sflag:s19] =	ssyncadd.s32 $0xFFFFD800  }
0x27: {  	[spmem:s8] =	stream.linear.scatter [tilespmem:s21], [sflag:$0x2], $0x2800, $0x38;
	[tilespmem:$0x1E080] =	vst v63  }
0x28: {  	_ =	swait.ge [sflag:s19], $0x2800  }
0x29: {  	[sflag:s19] =	ssyncset.done $0x0  }
0x2a: {  	[sflag:s19] =	ssyncadd.s32 $0xFFFFD800  }
0x2b: {  	[spmem:s9] =	stream.linear.scatter [tilespmem:s21], [sflag:$0x2], $0x2800, $0x38;
	[tilespmem:$0x1E080] =	vst v63  }
0x2c: {  	_ =	swait.ge [sflag:s19], $0x2800  }
0x2d: {  	[sflag:s19] =	ssyncset.done $0x0  }
0x2e: {  	[sflag:s19] =	ssyncadd.s32 $0xFFFFD800  }
0x2f: {  	[spmem:s10] =	stream.linear.scatter [tilespmem:s21], [sflag:$0x2], $0x2800, $0x38;
	[tilespmem:$0x1E080] =	vst v63  }
0x30: {  	_ =	swait.ge [sflag:s19], $0x2800  }
0x31: {  	[sflag:s19] =	ssyncset.done $0x0  }
0x32: {  	[sflag:s19] =	ssyncadd.s32 $0xFFFFD800  }
0x33: {  	[spmem:s11] =	stream.linear.scatter [tilespmem:s21], [sflag:$0x2], $0x2800, $0x38;
	[tilespmem:$0x1E080] =	vst v63  }
0x34: {  	_ =	swait.ge [sflag:s19], $0x2800  }
0x35: {  	[sflag:s19] =	ssyncset.done $0x0  }
0x36: {  	[sflag:s19] =	ssyncadd.s32 $0xFFFFD800  }
0x37: {  	[spmem:s12] =	stream.linear.scatter [tilespmem:s21], [sflag:$0x2], $0x2800, $0x38;
	[tilespmem:$0x1E080] =	vst v63  }
0x38: {  	_ =	swait.ge [sflag:s19], $0x2800  }
0x39: {  	[sflag:s19] =	ssyncset.done $0x0  }
0x3a: {  	[sflag:s19] =	ssyncadd.s32 $0xFFFFD800  }
0x3b: {  	[spmem:s13] =	stream.linear.scatter [tilespmem:s21], [sflag:$0x2], $0x2800, $0x38;
	[tilespmem:$0x1E080] =	vst v63  }
0x3c: {  	_ =	swait.ge [sflag:s19], $0x2800  }
0x3d: {  	[sflag:s19] =	ssyncset.done $0x0  }
0x3e: {  	[sflag:s19] =	ssyncadd.s32 $0xFFFFD800  }
0x3f: {  	[spmem:s14] =	stream.linear.scatter [tilespmem:s21], [sflag:$0x2], $0x2000, $0x38;
	[tilespmem:$0x1E080] =	vst v63  }
0x40: {  	_ =	swait.ge [sflag:s19], $0x2000  }
0x41: {  	[sflag:s19] =	ssyncset.done $0x0  }
0x42: {  	s25 =	simm.s32 @!p0 $0x8000;
	[sflag:s19] =	ssyncadd.s32 $0xFFFFE000  }
0x43: {  	[spmem:s15] =	stream.linear.scatter @!p0 [tilespmem:s25], [sflag:$0x2], $0x800, $0x38;
	[tilespmem:$0x1E080] =	vst v63  }
0x44: {  	s25 =	simm.s32 @!p0 $0x2  }
0x45: {  	_ =	swait.ge @!p0 [sflag:s25], $0x800  }
0x46: {  	[sflag:s25] =	ssyncset.done @!p0 $0x0  }
0x47: {  	[sflag:s25] =	ssyncadd.s32 @!p0 $0xFFFFF800  }
0x48: {  	s30 =	simm.s32 $0x0;
	[bflag:$0x0] =	sbarrier.arrive $0xFFFF  }
0x49: {  	[tilespmem:s21], [sflag:$0x1] =	stream.indirect.gather [hbm4b:s1+s22], $0x80, s30, s22, $0xb8;
	[tilespmem:$0x1E080] =	vst v63  }
0x4a: {  	_ =	swait.ge [sflag:s23], $0x2800  }
0x4b: {  	[sflag:s23] =	ssyncset.done $0x0  }
0x4c: {  	s31 =	simm.s32 $0x4000;
	[sflag:s23] =	ssyncadd.s32 $0xFFFFD800  }
0x4d: {  	[spmem:s3] =	stream.indirect.scatter.add.f32 [tilespmem:s21], [sflag:$0x2], $0x80, s31, s22, $0xb8;
	[tilespmem:$0x1E080] =	vst v63  }
0x4e: {  	_ =	swait.ge [sflag:s19], $0x2800  }
0x4f: {  	s26 =	simm.s32 $0x400;
	s25 =	simm.s32 $0x200;
	[sflag:s19] =	ssyncset.done $0x0  }
.LBB2_4:
0x50: {  	s28 =	sshra.s32 s25, $0x2  }
0x51: {  	[sflag:s19] =	ssyncadd.s32 $0xFFFFD800;
	s25 =	smov.u32 s26;
	s29 =	sadd.s32 $0x200, s26  }
0x52: {  	[tilespmem:s21], [sflag:$0x1] =	stream.indirect.gather [hbm4b:s1+s22], $0x80, s28, s22, $0xb8;
	[tilespmem:$0x1E080] =	vst v63  }
0x53: {  	p1 =	sne.s32 s26, $0xF800;
	_ =	swait.ge [sflag:s23], $0x2800  }
.Ltmp1:
0x54: {  	[sflag:s23] =	ssyncset.done $0x0;
	(pc) =	sbr.rel @p1 .LBB2_4-.Ltmp1, $4  }
0x55: {  	s26 =	sadd.s32 $0x4000, s28;
	[sflag:s23] =	ssyncadd.s32 $0xFFFFD800  }
0x56: {  	[spmem:s3] =	stream.indirect.scatter.add.f32 [tilespmem:s21], [sflag:$0x2], $0x80, s26, s22, $0xb8;
	[tilespmem:$0x1E080] =	vst v63  }
0x57: {  	_ =	swait.ge [sflag:s19], $0x2800  }
0x58: {  	s26 =	smov.u32 s29;
	[sflag:s19] =	ssyncset.done $0x0  }
0x59: {  	s25 =	sshra.s32 s25, $0x2;
	[sflag:s19] =	ssyncadd.s32 $0xFFFFD800  }
0x5a: {  	[tilespmem:s21], [sflag:$0x1] =	stream.indirect.gather [hbm4b:s1+s22], $0x80, s25, s22, $0xb8;
	[tilespmem:$0x1E080] =	vst v63  }
0x5b: {  	_ =	swait.ge [sflag:s23], $0x2800  }
0x5c: {  	[sflag:s23] =	ssyncset.done $0x0  }
0x5d: {  	s25 =	sadd.s32 $0x4000, s25;
	[sflag:s23] =	ssyncadd.s32 $0xFFFFD800  }
0x5e: {  	[spmem:s3] =	stream.indirect.scatter.add.f32 [tilespmem:s21], [sflag:$0x2], $0x80, s25, s22, $0xb8;
	[tilespmem:$0x1E080] =	vst v63  }
0x5f: {  	_ =	swait.ge [sflag:s19], $0x2800  }
0x60: {  	[sflag:s19] =	ssyncset.done $0x0  }
0x61: {  	s31 =	sshll.u32 s2, $0x6;
	[sflag:s19] =	ssyncadd.s32 $0xFFFFD800  }
0x62: {  	s26 =	sshrl.u32 s6, $0x3;
	s25 =	sor.u32 $0x1C02, s31;
	[bflag:$0x0] =	sbarrier.arrive $0xFFFF  }
0x63: {  	[hbm:s16], [sflag:s25] =	dma.local [spmem:s26], $0x2700  }
0x64: {  	_ =	swait.ge [sflag:s19], $0x2700  }
0x65: {  	s24 =	sadd.s32 $0x1, s24;
	[sflag:s19] =	ssyncset.done $0x0  }
0x66: {  	p1 =	sne.s32 s24, s18;
	s26 =	sshrl.u32 @!p0 s15, $0x3;
	[sflag:s19] =	ssyncadd.s32 $0xFFFFD900  }
0x67: {  	[hbm:s17], [sflag:s25] =	dma.local @!p0 [spmem:s26], $0x100  }
.Ltmp2:
0x68: {  	_ = 	snop;
	(pc) =	sbr.rel @p1 .LBB2_1-.Ltmp2, $4  }
0x69: {  	s25 =	simm.s32 @!p0 $0x2  }
0x6a: {  	_ =	swait.ge @!p0 [sflag:s25], $0x100  }
0x6b: {  	[sflag:s25] =	ssyncset.done @!p0 $0x0  }
0x6c: {  	[sflag:s25] =	ssyncadd.s32 @!p0 $0xFFFFFF00  }
0x6d: {  	_ =	sfence.sel $0x180000  }
0x6e: {  	[bflag:$0x0] =	sbarrier.arrive $0xFFFF  }
0x6f: {  	p0 =	sne.s32 s2, $0x0;
	_ =	strace $0x90000047  }
0x70: {  	s0 =	sadd.s32 @!p0 $0x100000, s0;
	[bflag:$0x2] =	sbarrier.arrive $0xFFFF  }
0x71: {  	[sflag:s0] =	ssyncadd.tile.s32 @!p0 $0x1;
	_ =	shalt  }
.Lfunc_end2:
_tile_overlayer_lowered:
.L_overlay_start_2:
0x72: {  	(tag) =	ssettag $0x2  }
0x73: {  	s0 =	rddreg [dreg:$0x0];
	s2 =	stileid.u32  }
0x74: {  	s1 =	rddreg [dreg:$0x1];
	p0 =	sne.s32 s2, $0x0  }
0x75: {  	s3 =	rddreg [dreg:$0x2];
	[bflag:$0x3] =	sbarrier.arrive $0xFFFF;
	s2 =	simm.s32 @!p0 $0x1C02  }
0x76: {  	[timem:s3], [sflag:s2] =	dma.local @!p0 [hbm:s0], s1  }
0x77: {  	s0 =	simm.s32 @!p0 $0x2  }
0x78: {  	_ =	swait.ge @!p0 [sflag:s0], s1  }
0x79: {  	s1 =	ssub.s32 @!p0 $0x0, s1;
	[sflag:s0] =	ssyncset.done @!p0 $0x0  }
0x7a: {  	[sflag:s0] =	ssyncadd.s32 @!p0 s1  }
0x7b: {  	[bflag:$0x3] =	sbarrier.arrive $0xFFFF  }
0x7c: {  	_ =	shalt  }

// kernel: kernel.9.cloned.1.call-start
scs
__scs_entry_jumppad:
0x0: {  	(pc) =	sbr.rel $0x88, $3  }
0x1: {  	(tag) =	ssettag $0x0;
	lr =	simm.s32 $0x1  }
0x2: {  	[smem:$0x3F9B] =	sst lr;
	_ =	strace $0xD0000000  }
0x3: {  	_ = 	snop  }
0x4: {  	_ = 	snop  }
0x5: {  	_ = 	snop  }
0x6: {  	_ = 	snop  }
0x7: {  	_ = 	snop  }
__scs_overlays_trampoline_lowered:
0x8: {  	[smem:$0x3FAA] =	sst s0  }
0x9: {  	[smem:$0x3FAB] =	sst s1  }
0xa: {  	[smem:$0x3FAC] =	sst s2  }
0xb: {  	[smem:$0x3FAD] =	sst s3  }
0xc: {  	[smem:$0x3FAE] =	sst s4  }
0xd: {  	[smem:$0x3FAF] =	sst s5  }
0xe: {  	[smem:$0x3FB0] =	sst s6  }
0xf: {  	[smem:$0x3FB1] =	sst s7  }
0x10: {  	[smem:$0x3FB2] =	sst s8  }
0x11: {  	[smem:$0x3FB3] =	sst s9;
	s0 =	simm.s32 @!p0 $0x0  }
0x12: {  	s1 =	sld [smem:$0x3F99];
	s0 =	simm.s32 @p0 $0x1  }
0x13: {  	[smem:$0x3FB4] =	sst s0;
	s0 =	simm.s32 @!p1 $0x0  }
0x14: {  	s2 =	sld [smem:$0x3F98];
	s0 =	simm.s32 @p1 $0x1  }
0x15: {  	[smem:$0x3FB5] =	sst s0;
	s0 =	simm.s32 @!p2 $0x0  }
0x16: {  	s3 =	sld [smem:$0x3FDB];
	s0 =	simm.s32 @p2 $0x1  }
0x17: {  	s4 =	simm.s32 $0x1BF5;
	[smem:$0x3FB7] =	sst s0  }
0x18: {  	s0 =	sld [smem:$0x3F9A];
	_ =	swait.ge [sflag:s4], $0x0  }
0x19: {  	s7 =	sld [smem:$0x3F9B]  }
0x1a: {  	s8 =	sadd.s32 $0xFFFFE003, lr  }
0x1b: {  	s9 =	sadd.s32 $0xFFFFFEF7, lr;
	s5 =	simm.s32 $0xFFFFFFFF;
	p2 =	slt.u32 s8, $0xFFFFF086  }
0x1c: {  	p1 =	slt.u32 s9, $0xF7A;
	s5 =	simm.s32 @!p2 $0x0  }
0x1d: {  	s5 =	simm.s32 @p1 $0x1;
	p0 =	seq.s32 s7, s2  }
0x1e: {  	s7 =	smul.u32 @!p0 $0xF7A, s2;
	p2 =	seq.s32 @!p0 s5, $0x0  }
0x1f: {  	s9 =	smul.u32 $0xF7A, s1;
	s8 =	simm.s32 @!p0 $0x1BF5;
	p2 =	por !p2, p0  }
0x20: {  	[sflag:s8] =	ssyncset.s32 @!p0 $0xFFFFF086;
	s6 =	sadd.s32 @!p0 s3, s7;
	s7 =	simm.s32 @!p0 $0x108  }
0x21: {  	s3 =	sadd.s32 s3, s9;
	s6 =	sadd.s32 @!p0 $0x88, s6;
	s7 =	simm.s32 @p2 $0x1082  }
0x22: {  	[simem:s7], [sflag:s8] =	dma.local @!p0 [hbm:s6], $0xF7A  }
0x23: {  	s9 =	sor.u32 $0xD0000000, s2;
	s6 =	simm.s32 $0x108;
	_ =	swait.ge @!p0 [sflag:s8], $0x0  }
0x24: {  	s3 =	sadd.s32 $0x88, s3;
	s6 =	simm.s32 @!p1 $0x1082;
	[sflag:s4] =	ssyncset.s32 $0xFFFFF086  }
0x25: {  	[simem:s6], [sflag:s4] =	dma.local [hbm:s3], $0xF7A  }
0x26: {  	[smem:$0x3F9B] =	sst s1;
	(tag) =	ssettag s2;
	_ =	strace s9  }
0x27: {  	s1 =	sld [smem:$0x3FAB]  }
0x28: {  	s2 =	sld [smem:$0x3FAC]  }
0x29: {  	s4 =	sld [smem:$0x3FAE]  }
0x2a: {  	p0 =	seq.s32 s5, $0x0;
	s5 =	sld [smem:$0x3FAF]  }
0x2b: {  	s6 =	sld [smem:$0x3FB0]  }
0x2c: {  	s7 =	sld [smem:$0x3FB1]  }
0x2d: {  	s3 =	simm.s32 $0x108;
	s8 =	sld [smem:$0x3FB2]  }
0x2e: {  	s3 =	simm.s32 @!p0 $0x1082;
	s9 =	sld [smem:$0x3FB3]  }
0x2f: {  	lr =	sadd.s32 s0, s3;
	s0 =	sld [smem:$0x3FAA]  }
0x30: {  	s3 =	sld [smem:$0x3FAD]  }
0x31: {  	[smem:$0x3FB6] =	sst s10  }
0x32: {  	s10 =	sld [smem:$0x3FB4];
	_ =	sdelay $0x3  }
0x33: {  	p0 =	seq.s32 s10, $0x1;
	s10 =	sld [smem:$0x3FB6];
	_ =	sdelay $0x3  }
0x34: {  	[smem:$0x3FB6] =	sst s10  }
0x35: {  	s10 =	sld [smem:$0x3FB5];
	_ =	sdelay $0x3  }
0x36: {  	p1 =	seq.s32 s10, $0x1;
	s10 =	sld [smem:$0x3FB6];
	_ =	sdelay $0x3  }
0x37: {  	[smem:$0x3FB6] =	sst s10  }
0x38: {  	s10 =	sld [smem:$0x3FB7]  }
0x39: {  	_ = 	snop;
	(pc) =	sbr.ind lr, $3  }
0x3a: {  	_ = 	snop  }
0x3b: {  	_ = 	snop  }
0x3c: {  	p2 =	seq.s32 s10, $0x1;
	s10 =	sld [smem:$0x3FB6]  }
0x3d: {  	_ =	shalt  }
0x3e: {  	_ =	shalt  }
0x3f: {  	_ =	shalt  }
0x40: {  	_ =	shalt  }
0x41: {  	_ =	shalt  }
0x42: {  	_ =	shalt  }
0x43: {  	_ =	shalt  }
0x44: {  	_ =	shalt  }
0x45: {  	_ =	shalt  }
0x46: {  	_ =	shalt  }
0x47: {  	_ =	shalt  }
0x48: {  	_ =	shalt  }
0x49: {  	_ =	shalt  }
0x4a: {  	_ =	shalt  }
0x4b: {  	_ =	shalt  }
0x4c: {  	_ =	shalt  }
0x4d: {  	_ =	shalt  }
0x4e: {  	_ =	shalt  }
0x4f: {  	_ =	shalt  }
0x50: {  	_ =	shalt  }
0x51: {  	_ =	shalt  }
0x52: {  	_ =	shalt  }
0x53: {  	_ =	shalt  }
0x54: {  	_ =	shalt  }
0x55: {  	_ =	shalt  }
0x56: {  	_ =	shalt  }
0x57: {  	_ =	shalt  }
0x58: {  	_ =	shalt  }
0x59: {  	_ =	shalt  }
0x5a: {  	_ =	shalt  }
0x5b: {  	_ =	shalt  }
0x5c: {  	_ =	shalt  }
0x5d: {  	_ =	shalt  }
0x5e: {  	_ =	shalt  }
0x5f: {  	_ =	shalt  }
0x60: {  	_ =	shalt  }
0x61: {  	_ =	shalt  }
0x62: {  	_ =	shalt  }
0x63: {  	_ =	shalt  }
0x64: {  	_ =	shalt  }
0x65: {  	_ =	shalt  }
0x66: {  	_ =	shalt  }
0x67: {  	_ =	shalt  }
0x68: {  	_ =	shalt  }
0x69: {  	_ =	shalt  }
0x6a: {  	_ =	shalt  }
0x6b: {  	_ =	shalt  }
0x6c: {  	_ =	shalt  }
0x6d: {  	_ =	shalt  }
0x6e: {  	_ =	shalt  }
0x6f: {  	_ =	shalt  }
0x70: {  	_ =	shalt  }
0x71: {  	_ =	shalt  }
0x72: {  	_ =	shalt  }
0x73: {  	_ =	shalt  }
0x74: {  	_ =	shalt  }
0x75: {  	_ =	shalt  }
0x76: {  	_ =	shalt  }
0x77: {  	_ =	shalt  }
0x78: {  	_ =	shalt  }
0x79: {  	_ =	shalt  }
0x7a: {  	_ =	shalt  }
0x7b: {  	_ =	shalt  }
0x7c: {  	_ =	shalt  }
0x7d: {  	_ =	shalt  }
0x7e: {  	_ =	shalt  }
0x7f: {  	_ =	shalt  }
0x80: {  	_ =	shalt  }
0x81: {  	_ =	shalt  }
0x82: {  	_ =	shalt  }
0x83: {  	_ =	shalt  }
0x84: {  	_ =	shalt  }
0x85: {  	_ =	shalt  }
0x86: {  	_ =	shalt  }
0x87: {  	_ =	shalt  }
.Lfunc_end0:
.L_simem_size_0:
called_computation.1_lowered:
.L_overlay_start_0:
0x88: {  	s2 =	sld [smem:$0x3FD9]  }
0x89: {  	s3 =	sld [smem:$0x3FFE];
	_ =	sdelay $0x1  }
0x8a: {  	s1 =	srdreg.scid  }
0x8b: {  	s0 =	sand.u32 $0x1, s1  }
0x8c: {  	s16 =	sshll.u32 s0, $0xA;
	s2 =	sadd.s32 s3, s2  }
0x8d: {  	s2 =	sadd.s32 s2, s16  }
0x8e: {  	[smem:$0x3FC2] =	sst s2  }
0x8f: {  	_ = 	snop  }
0x90: {  	(tm) =	ssettm $0x1  }
0x91: {  	s17 =	sld [smem:$0x3FFB];
	_ =	sdelay $0x3  }
0x92: {  	_ =	strace s17  }
0x93: {  	s2 =	sld [smem:$0x3FFC];
	_ =	sdelay $0x3  }
0x94: {  	_ =	strace s2  }
0x95: {  	s2 =	sld [smem:$0x3FFD];
	_ =	sdelay $0x3  }
0x96: {  	_ =	strace s2  }
0x97: {  	_ =	strace $0x8FFFFFFF  }
0x98: {  	s18 =	sld [smem:$0x3FDB];
	_ =	sdelay $0x1  }
0x99: {  	s19 =	simm.s32 $_scs_section_size  }
0x9a: {  	s4 =	simm.s32 $_size__tile_overlayer_lowered;
	s5 =	simm.s32 $_tile_overlayer_lowered  }
0x9b: {  	s22 =	simm.s32 $0x1BFF;
	s21 =	sshll.u32 s5, $0x1;
	s2 =	sadd.s32 s19, s18  }
0x9c: {  	s6 =	simm.s32 $0x0;
	s20 =	sshll.u32 s4, $0x1;
	s4 =	sadd.s32 s21, s2  }
0x9d: {  	[timem:s6], [sflag:s22] =	dma.local [hbm:s4], s20  }
0x9e: {  	_ =	swait.ge [sflag:s22], s20  }
0x9f: {  	s3 =	ssub.s32 $0x0, s20;
	[sflag:s22] =	ssyncset.done $0x0  }
0xa0: {  	[sflag:s22] =	ssyncadd.s32 s3;
	_ =	sdelay $0x1  }
0xa1: {  	s23 =	simm.s32 $0x1B8B  }
0xa2: {  	_ =	swait.ge [sflag:s23], $0x1  }
0xa3: {  	[sflag:s23] =	ssyncset.done $0x0  }
0xa4: {  	s25 =	simm.s32 $0x1B8E;
	s24 =	sld [smem:$0x3FFE];
	[sflag:s23] =	ssyncadd.s32 $0xFFFFFFFF  }
0xa5: {  	s26 =	simm.s32 $execute0_lowered;
	[smem:$0x3FD2] =	sst s25  }
0xa6: {  	s4 =	sshll.u32 s26, $0x1;
	_ =	strace $0x80000049;
	[dreg:$0x1] =	wrdreg $0xFFFFFFFF  }
0xa7: {  	s28 =	simm.s32 $_size_execute0_lowered;
	s2 =	sadd.s32 s2, s4;
	[dreg:$0x0] =	wrdreg $0x0  }
0xa8: {  	s4 =	sshll.u32 s28, $0x1;
	[dreg:$0x2] =	wrdreg s2  }
0xa9: {  	[dreg:$0x3] =	wrdreg s4  }
0xaa: {  	[dreg:$0x4] =	wrdreg $0xC0  }
0xab: {  	_ =	task [dreg:s6], $0x5FFFF  }
0xac: {  	[dreg:$0x1] =	wrdreg $0xFFFFFFFF  }
0xad: {  	[dreg:$0x0] =	wrdreg $0x60  }
0xae: {  	[dreg:$0x2] =	wrdreg s24  }
0xaf: {  	[dreg:$0x3] =	wrdreg $0xA8000  }
0xb0: {  	[dreg:$0x4] =	wrdreg $0x9  }
0xb1: {  	_ =	task.clear_ibuf [dreg:s6], $0x5FFFF;
	_ =	strace $0x90000049  }
0xb2: {  	s29 =	simm.s32 $0x9;
	_ =	strace $0x8000004B  }
0xb3: {  	_ =	swait.ge [sflag:s29], $0x1  }
0xb4: {  	[sflag:s29] =	ssyncadd.s32 $0xFFFFFFFF  }
0xb5: {  	_ =	strace $0x9000004B  }
0xb6: {  	_ =	sfence  }
0xb7: {  	s30 =	sld [smem:$0x0];
	_ =	sdelay $0x2  }
0xb8: {  	s31 =	sshll.u32 s1, $0xD;
	s1 =	sshrl.u32 s1, $0x2  }
0xb9: {  	s3 =	sand.u32 $0x4000, s31;
	s1 =	sadd.s32 s1, s30  }
0xba: {  	s0 =	sor.u32 s3, s0;
	s1 =	sshll.u32 s1, $0x11  }
0xbb: {  	s0 =	sor.u32 s1, s0  }
0xbc: {  	s0 =	sadd.s32 $0x8F2B, s0  }
0xbd: {  	[sflag:s0] =	ssyncadd.remote.s32 $0x1  }
0xbe: {  	_ =	sfence.sel $0xFFFF  }
0xbf: {  	[dreg:$0x0] =	wrdreg $0xFFFFFFFF;
	(pc) =	sbr.abs _section_cstart, $3  }
0xc0: {  	[dreg:$0x1] =	wrdreg $0xFFFFFFFF  }
0xc1: {  	_ =	task.clear_ibuf [dreg:s6], $0x2FFFF;
	_ =	strace $0x9FFFFFFF  }
0xc2: {  	(tm) =	ssettm $0x7FFFFFFF  }
0xc3: {  	_ =	shalt  }
tec
execute0_lowered:
.L_overlay_start_1:
0x0: {  	(tag) =	ssettag $0x1  }
0x1: {  	s5 =	rddreg [dreg:$0x0]  }
0x2: {  	s1 =	rddreg [dreg:$0x1]  }
0x3: {  	s0 =	rddreg [dreg:$0x2];
	s3 =	simm.s32 $0x0;
	s4 =	srdreg.scid  }
0x4: {  	s2 =	stileid.u32;
	s20 =	simm.s32 $0x4000;
	s21 =	simm.s32 $0x8000  }
0x5: {  	s22 =	simm.s32 $0x50;
	s23 =	simm.s32 $0x1;
	s24 =	simm.s32 $0x0  }
0x6: {  	[smem:$0x7FF] =	sst s3;
	s7 =	sand.u32 $0x1, s4;
	s9 =	smul.u32 $0x4E000, s2  }
0x7: {  	s6 =	sshll.u32 s2, $0xB;
	s17 =	sadd.s32 $0x48000, s5;
	s14 =	smul.u32 $0x13800, s2  }
0x8: {  	p0 =	sne.s32 s2, $0xF;
	_ =	strace $0x8000004A;
	s4 =	sshll.u32 s7, $0xF  }
0x9: {  	s8 =	ssub.s32 $0x2, s7;
	s15 =	smul.u32 $0x138800, s7;
	s6 =	sor.u32 s6, s4  }
0xa: {  	s4 =	sadd.s32 $0x20E00, s5;
	s30 =	sshrl.u32 s8, $0x1;
	s31 =	sshrl.u32 s9, $0x2  }
0xb: {  	s10 =	sadd.s32 s6, s5;
	s18 =	ssub.s32 s8, s30;
	s6 =	sadd.s32 s31, s1  }
0xc: {  	s16 =	sadd.s32 s14, s15;
	s19 =	sshrl.u32 s15, $0x3;
	s15 =	sadd.s32 $0x138000, s1  }
0xd: {  	s5 =	sadd.s32 $0xE00, s10;
	s7 =	sadd.s32 $0x10E00, s10;
	s8 =	sadd.s32 $0x2800, s6  }
0xe: {  	s9 =	sadd.s32 $0x5000, s6;
	s10 =	sadd.s32 $0x7800, s6;
	s11 =	sadd.s32 $0xA000, s6  }
0xf: {  	s12 =	sadd.s32 $0xC800, s6;
	s13 =	sadd.s32 $0xF000, s6;
	s16 =	sshrl.u32 s16, $0x3  }
0x10: {  	s14 =	sadd.s32 $0x11800, s6;
	s16 =	sadd.s32 s17, s16;
	s17 =	sadd.s32 s17, s19  }
0x11: {  	v0 =	vimm.f32 $0.0e+00;
	s18 =	smax.u32 s18, $0x1;
	s19 =	simm.s32 $0x2;
	s17 =	sadd.s32 $0x27000, s17  }
.LBB2_1:
0x12: {  	[tilespmem:s3], [sflag:$0x2] =	stream.linear.gather [hbm4b:s5+s3], $0x3E80, $0x38;
	[tilespmem:$0x1E080] =	vst v63  }
0x13: {  	_ =	swait.ge [sflag:s19], $0x3E80  }
0x14: {  	[sflag:s19] =	ssyncset.done $0x0  }
0x15: {  	[sflag:s19] =	ssyncadd.s32 $0xFFFFC180  }
0x16: {  	[tilespmem:s20], [sflag:$0x2] =	stream.linear.gather [hbm4b:s7+s3], $0x3E80, $0x38;
	[tilespmem:$0x1E080] =	vst v63  }
0x17: {  	s25 =	sand.u32 $0xFE00, s3;
	s26 =	sand.u32 $0x70, s3;
	_ =	swait.ge [sflag:s19], $0x3E80  }
0x18: {  	s28 =	sshrl.u32 s25, $0x2;
	s25 =	simm.s32 $0x40;
	[sflag:s19] =	ssyncset.done $0x0  }
0x19: {  	s28 =	sor.u32 s26, s28;
	s26 =	simm.s32 $0x0;
	[sflag:s19] =	ssyncadd.s32 $0xFFFFC180  }
.LBB2_2:
0x1a: {  	p1 =	sne.s32 s25, $0x9FC0  }
0x1b: {  	[tilespmem:s28+$0x8000] =	vst v0;
	s26 =	sadd.s32 $0x10, s26;
	s28 =	smov.u32 s25;
	s25 =	sadd.s32 $0x40, s25  }
.Ltmp0:
0x1c: {  	(pc) =	sbr.rel @p1 .LBB2_2-.Ltmp0, $4  }
0x1d: {  	_ = 	snop  }
0x1e: {  	s28 =	sand.u32 $0xFE00, s28  }
0x1f: {  	s29 =	sand.u32 $0x70, s26;
	s28 =	sshrl.u32 s28, $0x2  }
0x20: {  	s28 =	sor.u32 s29, s28  }
0x21: {  	[tilespmem:s28+$0x8000] =	vst v0  }
0x22: {  	[spmem:s6] =	stream.linear.scatter [tilespmem:s21], [sflag:$0x2], $0x2800, $0x38;
	[tilespmem:$0x1E080] =	vst v63  }
0x23: {  	_ =	swait.ge [sflag:s19], $0x2800  }
0x24: {  	[sflag:s19] =	ssyncset.done $0x0  }
0x25: {  	[sflag:s19] =	ssyncadd.s32 $0xFFFFD800  }
0x26: {  	[spmem:s8] =	stream.linear.scatter [tilespmem:s21], [sflag:$0x2], $0x2800, $0x38;
	[tilespmem:$0x1E080] =	vst v63  }
0x27: {  	_ =	swait.ge [sflag:s19], $0x2800  }
0x28: {  	[sflag:s19] =	ssyncset.done $0x0  }
0x29: {  	[sflag:s19] =	ssyncadd.s32 $0xFFFFD800  }
0x2a: {  	[spmem:s9] =	stream.linear.scatter [tilespmem:s21], [sflag:$0x2], $0x2800, $0x38;
	[tilespmem:$0x1E080] =	vst v63  }
0x2b: {  	_ =	swait.ge [sflag:s19], $0x2800  }
0x2c: {  	[sflag:s19] =	ssyncset.done $0x0  }
0x2d: {  	[sflag:s19] =	ssyncadd.s32 $0xFFFFD800  }
0x2e: {  	[spmem:s10] =	stream.linear.scatter [tilespmem:s21], [sflag:$0x2], $0x2800, $0x38;
	[tilespmem:$0x1E080] =	vst v63  }
0x2f: {  	_ =	swait.ge [sflag:s19], $0x2800  }
0x30: {  	[sflag:s19] =	ssyncset.done $0x0  }
0x31: {  	[sflag:s19] =	ssyncadd.s32 $0xFFFFD800  }
0x32: {  	[spmem:s11] =	stream.linear.scatter [tilespmem:s21], [sflag:$0x2], $0x2800, $0x38;
	[tilespmem:$0x1E080] =	vst v63  }
0x33: {  	_ =	swait.ge [sflag:s19], $0x2800  }
0x34: {  	[sflag:s19] =	ssyncset.done $0x0  }
0x35: {  	[sflag:s19] =	ssyncadd.s32 $0xFFFFD800  }
0x36: {  	[spmem:s12] =	stream.linear.scatter [tilespmem:s21], [sflag:$0x2], $0x2800, $0x38;
	[tilespmem:$0x1E080] =	vst v63  }
0x37: {  	_ =	swait.ge [sflag:s19], $0x2800  }
0x38: {  	[sflag:s19] =	ssyncset.done $0x0  }
0x39: {  	[sflag:s19] =	ssyncadd.s32 $0xFFFFD800  }
0x3a: {  	[spmem:s13] =	stream.linear.scatter [tilespmem:s21], [sflag:$0x2], $0x2800, $0x38;
	[tilespmem:$0x1E080] =	vst v63  }
0x3b: {  	_ =	swait.ge [sflag:s19], $0x2800  }
0x3c: {  	[sflag:s19] =	ssyncset.done $0x0  }
0x3d: {  	[sflag:s19] =	ssyncadd.s32 $0xFFFFD800  }
0x3e: {  	[spmem:s14] =	stream.linear.scatter [tilespmem:s21], [sflag:$0x2], $0x2000, $0x38;
	[tilespmem:$0x1E080] =	vst v63  }
0x3f: {  	_ =	swait.ge [sflag:s19], $0x2000  }
0x40: {  	[sflag:s19] =	ssyncset.done $0x0  }
0x41: {  	s25 =	simm.s32 @!p0 $0x8000;
	[sflag:s19] =	ssyncadd.s32 $0xFFFFE000  }
0x42: {  	[spmem:s15] =	stream.linear.scatter @!p0 [tilespmem:s25], [sflag:$0x2], $0x800, $0x38;
	[tilespmem:$0x1E080] =	vst v63  }
0x43: {  	s25 =	simm.s32 @!p0 $0x2  }
0x44: {  	_ =	swait.ge @!p0 [sflag:s25], $0x800  }
0x45: {  	[sflag:s25] =	ssyncset.done @!p0 $0x0  }
0x46: {  	[sflag:s25] =	ssyncadd.s32 @!p0 $0xFFFFF800  }
0x47: {  	s30 =	simm.s32 $0x0;
	[bflag:$0x0] =	sbarrier.arrive $0xFFFF  }
0x48: {  	[tilespmem:s21], [sflag:$0x1] =	stream.indirect.gather [hbm4b:s4+s22], $0x80, s30, s22, $0xb8;
	[tilespmem:$0x1E080] =	vst v63  }
0x49: {  	_ =	swait.ge [sflag:s23], $0x2800  }
0x4a: {  	[sflag:s23] =	ssyncset.done $0x0  }
0x4b: {  	s31 =	simm.s32 $0x4000;
	[sflag:s23] =	ssyncadd.s32 $0xFFFFD800  }
0x4c: {  	[spmem:s1] =	stream.indirect.scatter.add.f32 [tilespmem:s21], [sflag:$0x2], $0x80, s31, s22, $0xb8;
	[tilespmem:$0x1E080] =	vst v63  }
0x4d: {  	_ =	swait.ge [sflag:s19], $0x2800  }
0x4e: {  	s26 =	simm.s32 $0x400;
	s25 =	simm.s32 $0x200;
	[sflag:s19] =	ssyncset.done $0x0  }
.LBB2_4:
0x4f: {  	s28 =	sshra.s32 s25, $0x2  }
0x50: {  	[sflag:s19] =	ssyncadd.s32 $0xFFFFD800;
	s25 =	smov.u32 s26;
	s29 =	sadd.s32 $0x200, s26  }
0x51: {  	[tilespmem:s21], [sflag:$0x1] =	stream.indirect.gather [hbm4b:s4+s22], $0x80, s28, s22, $0xb8;
	[tilespmem:$0x1E080] =	vst v63  }
0x52: {  	p1 =	sne.s32 s26, $0xF800;
	_ =	swait.ge [sflag:s23], $0x2800  }
.Ltmp1:
0x53: {  	[sflag:s23] =	ssyncset.done $0x0;
	(pc) =	sbr.rel @p1 .LBB2_4-.Ltmp1, $4  }
0x54: {  	s26 =	sadd.s32 $0x4000, s28;
	[sflag:s23] =	ssyncadd.s32 $0xFFFFD800  }
0x55: {  	[spmem:s1] =	stream.indirect.scatter.add.f32 [tilespmem:s21], [sflag:$0x2], $0x80, s26, s22, $0xb8;
	[tilespmem:$0x1E080] =	vst v63  }
0x56: {  	_ =	swait.ge [sflag:s19], $0x2800  }
0x57: {  	s26 =	smov.u32 s29;
	[sflag:s19] =	ssyncset.done $0x0  }
0x58: {  	s25 =	sshra.s32 s25, $0x2;
	[sflag:s19] =	ssyncadd.s32 $0xFFFFD800  }
0x59: {  	[tilespmem:s21], [sflag:$0x1] =	stream.indirect.gather [hbm4b:s4+s22], $0x80, s25, s22, $0xb8;
	[tilespmem:$0x1E080] =	vst v63  }
0x5a: {  	_ =	swait.ge [sflag:s23], $0x2800  }
0x5b: {  	[sflag:s23] =	ssyncset.done $0x0  }
0x5c: {  	s25 =	sadd.s32 $0x4000, s25;
	[sflag:s23] =	ssyncadd.s32 $0xFFFFD800  }
0x5d: {  	[spmem:s1] =	stream.indirect.scatter.add.f32 [tilespmem:s21], [sflag:$0x2], $0x80, s25, s22, $0xb8;
	[tilespmem:$0x1E080] =	vst v63  }
0x5e: {  	_ =	swait.ge [sflag:s19], $0x2800  }
0x5f: {  	[sflag:s19] =	ssyncset.done $0x0  }
0x60: {  	s31 =	sshll.u32 s2, $0x6;
	[sflag:s19] =	ssyncadd.s32 $0xFFFFD800  }
0x61: {  	s26 =	sshrl.u32 s6, $0x3;
	s25 =	sor.u32 $0x1C02, s31;
	[bflag:$0x0] =	sbarrier.arrive $0xFFFF  }
0x62: {  	[hbm:s16], [sflag:s25] =	dma.local [spmem:s26], $0x2700  }
0x63: {  	_ =	swait.ge [sflag:s19], $0x2700  }
0x64: {  	s24 =	sadd.s32 $0x1, s24;
	[sflag:s19] =	ssyncset.done $0x0  }
0x65: {  	p1 =	sne.s32 s24, s18;
	s26 =	sshrl.u32 @!p0 s15, $0x3;
	[sflag:s19] =	ssyncadd.s32 $0xFFFFD900  }
0x66: {  	[hbm:s17], [sflag:s25] =	dma.local @!p0 [spmem:s26], $0x100  }
.Ltmp2:
0x67: {  	_ = 	snop;
	(pc) =	sbr.rel @p1 .LBB2_1-.Ltmp2, $4  }
0x68: {  	s25 =	simm.s32 @!p0 $0x2  }
0x69: {  	_ =	swait.ge @!p0 [sflag:s25], $0x100  }
0x6a: {  	[sflag:s25] =	ssyncset.done @!p0 $0x0  }
0x6b: {  	[sflag:s25] =	ssyncadd.s32 @!p0 $0xFFFFFF00  }
0x6c: {  	_ =	sfence.sel $0x180000  }
0x6d: {  	[bflag:$0x0] =	sbarrier.arrive $0xFFFF  }
0x6e: {  	p0 =	sne.s32 s2, $0x0;
	_ =	strace $0x9000004A  }
0x6f: {  	s0 =	sadd.s32 @!p0 $0x100000, s0;
	[bflag:$0x2] =	sbarrier.arrive $0xFFFF  }
0x70: {  	[sflag:s0] =	ssyncadd.tile.s32 @!p0 $0x1;
	_ =	shalt  }
.Lfunc_end2:
_tile_overlayer_lowered:
.L_overlay_start_2:
0x71: {  	(tag) =	ssettag $0x2  }
0x72: {  	s0 =	rddreg [dreg:$0x0];
	s2 =	stileid.u32  }
0x73: {  	s1 =	rddreg [dreg:$0x1];
	p0 =	sne.s32 s2, $0x0  }
0x74: {  	s3 =	rddreg [dreg:$0x2];
	[bflag:$0x3] =	sbarrier.arrive $0xFFFF;
	s2 =	simm.s32 @!p0 $0x1C02  }
0x75: {  	[timem:s3], [sflag:s2] =	dma.local @!p0 [hbm:s0], s1  }
0x76: {  	s0 =	simm.s32 @!p0 $0x2  }
0x77: {  	_ =	swait.ge @!p0 [sflag:s0], s1  }
0x78: {  	s1 =	ssub.s32 @!p0 $0x0, s1;
	[sflag:s0] =	ssyncset.done @!p0 $0x0  }
0x79: {  	[sflag:s0] =	ssyncadd.s32 @!p0 s1  }
0x7a: {  	[bflag:$0x3] =	sbarrier.arrive $0xFFFF  }
0x7b: {  	_ =	shalt  }

</sc_bundles>
